<compile_context>
chip_gen: v7x
topology: tpu7x:2x2x1
jax: 0.10.2.dev20260603
libtpu: 0.0.44.dev20260713+nightly
codegen_flags: <defaults>
</compile_context>

<pallas_src>
import functools

import jax
import jax.numpy as jnp
from jax import lax
from jax.experimental import pallas as pl
from jax.experimental.pallas import tpu as pltpu
from jax.experimental.pallas import tpu_sc as plsc

B = 1024
D = 64
K2 = 10
BM = 256


def _bf(x):
    return x.astype(jnp.bfloat16).astype(jnp.float32)


def _mean4(t, a, v, p):
    return 0.25 * _bf(_bf(t) + _bf(a) + _bf(v) + _bf(p))


def _dist_topk_gram_kernel(t_ref, a_ref, v_ref, p_ref,
                           tt_ref, at_ref, vt_ref, pt_ref, s_ref):
    i = pl.program_id(0)
    x = _mean4(t_ref[...], a_ref[...], v_ref[...], p_ref[...])
    xt = _mean4(tt_ref[...], at_ref[...], vt_ref[...], pt_ref[...])
    acc = jnp.zeros((BM, B), jnp.float32)
    for d in range(D):
        acc = acc + jnp.abs(x[:, d:d + 1] - xt[d:d + 1, :])
    lane = jax.lax.broadcasted_iota(jnp.int32, (BM, B), 1)
    row = jax.lax.broadcasted_iota(jnp.int32, (BM, B), 0) + i * BM
    w = (lane == row).astype(jnp.float32)
    dist = acc
    for _ in range(K2):
        m = jnp.max(dist, axis=1, keepdims=True)
        idx = jnp.min(jnp.where(dist == m, lane, B), axis=1, keepdims=True)
        sel = lane == idx
        w = w + sel.astype(jnp.float32)
        dist = jnp.where(sel, -jnp.inf, dist)
    sb = jax.lax.dot_general(w, w, (((0,), (0,)), ((), ())),
                             preferred_element_type=jnp.float32)

    @pl.when(i == 0)
    def _init():
        s_ref[...] = sb

    @pl.when(i != 0)
    def _accum():
        s_ref[...] += sb


def _assemble_tile_kernel(s_ref, out_ref, a_scr):
    i = pl.program_id(0)
    j = pl.program_id(1)

    @pl.when(jnp.logical_and(i == 0, j == 0))
    def _build():
        s = s_ref[...]
        ri = jax.lax.broadcasted_iota(jnp.int32, (B, B), 0)
        ci = jax.lax.broadcasted_iota(jnp.int32, (B, B), 1)
        eye = (ri == ci).astype(jnp.float32)
        inv_rs = 1.0 / (1.0 + jnp.sum(s, axis=1, keepdims=True) / 11.0)
        a_scr[...] = inv_rs * (0.25 * eye + (1.0 / 44.0) * s)

    out_ref[...] = a_scr[...]


def _nodes_list_sc(nodes_t, nodes_a, nodes_v, nodes_p):
    info = plsc.get_sparse_core_info()
    nw = info.num_cores * info.num_subcores
    rows = B // nw
    mesh = plsc.VectorSubcoreMesh(core_axis_name="c", subcore_axis_name="s")

    @functools.partial(
        pl.kernel, mesh=mesh,
        out_type=jax.ShapeDtypeStruct((4 * B, D), jnp.float32),
        scratch_types=[pltpu.VMEM((rows, D), jnp.float32)],
    )
    def k(t_hbm, a_hbm, v_hbm, p_hbm, out_hbm, buf):
        wid = lax.axis_index("s") * info.num_cores + lax.axis_index("c")
        base = wid * rows
        for q, src in enumerate((t_hbm, a_hbm, v_hbm, p_hbm)):
            pltpu.sync_copy(src.at[pl.ds(base, rows)], buf)
            pltpu.sync_copy(buf, out_hbm.at[pl.ds(q * B + base, rows)])

    return k(nodes_t, nodes_a, nodes_v, nodes_p)


def kernel(nodes_t, nodes_a, nodes_v, nodes_p, batch_size):
    del batch_size
    tt = jnp.transpose(nodes_t)
    at = jnp.transpose(nodes_a)
    vt = jnp.transpose(nodes_v)
    pt = jnp.transpose(nodes_p)

    s = pl.pallas_call(
        _dist_topk_gram_kernel,
        grid=(B // BM,),
        in_specs=[
            pl.BlockSpec((BM, D), lambda i: (i, 0)),
            pl.BlockSpec((BM, D), lambda i: (i, 0)),
            pl.BlockSpec((BM, D), lambda i: (i, 0)),
            pl.BlockSpec((BM, D), lambda i: (i, 0)),
            pl.BlockSpec((D, B), lambda i: (0, 0)),
            pl.BlockSpec((D, B), lambda i: (0, 0)),
            pl.BlockSpec((D, B), lambda i: (0, 0)),
            pl.BlockSpec((D, B), lambda i: (0, 0)),
        ],
        out_specs=pl.BlockSpec((B, B), lambda i: (0, 0)),
        out_shape=jax.ShapeDtypeStruct((B, B), jnp.float32),
    )(nodes_t, nodes_a, nodes_v, nodes_p, tt, at, vt, pt)

    adjacency = pl.pallas_call(
        _assemble_tile_kernel,
        grid=(4, 4),
        in_specs=[pl.BlockSpec((B, B), lambda i, j: (0, 0))],
        out_specs=pl.BlockSpec((B, B), lambda i, j: (i, j)),
        out_shape=jax.ShapeDtypeStruct((4 * B, 4 * B), jnp.float32),
        scratch_shapes=[pltpu.VMEM((B, B), jnp.float32)],
    )(s)

    nodes_list = _nodes_list_sc(nodes_t, nodes_a, nodes_v, nodes_p)
    return adjacency, nodes_list

# --- scband reference (transcript-rebuilt; emitter-appended) ---
"""Pipeline reference for scband-hyperedge-construction-50878182588836 (READ-ONLY COPY).

The authoritative reference and input builder live on the scoring server;
editing this copy changes nothing except your own understanding.
"""

import jax, jax.numpy as jnp
import numpy as np

K_2 = 10
B_SIZE = 1024
D_CAP = 64


def setup_inputs(seed: int = 0):
    key = jax.random.key(seed)
    k0, k1, k2, k3 = jax.random.split(key, 4)
    return {
        "nodes_t": jax.random.normal(k0, (B_SIZE, D_CAP), dtype=jnp.float32),
        "nodes_a": jax.random.normal(k1, (B_SIZE, D_CAP), dtype=jnp.float32),
        "nodes_v": jax.random.normal(k2, (B_SIZE, D_CAP), dtype=jnp.float32),
        "nodes_p": jax.random.normal(k3, (B_SIZE, D_CAP), dtype=jnp.float32),
        "batch_size": B_SIZE,
    }


def _pairwise_l1(x, chunk=128):
    # L1 pairwise distance, chunked over rows (same math as x[:,None]-x norm p=1)
    outs = []
    n = x.shape[0]
    for s in range(0, n, chunk):
        outs.append(jnp.sum(jnp.abs(x[s:s + chunk][:, None, :] - x[None, :, :]), axis=2))
    return jnp.concatenate(outs, axis=0)


def _build_H(nodes_t, nodes_a, nodes_v, nodes_p, batch_size, k_2):
    B = nodes_t.shape[0]
    nodes_list = jnp.concatenate([nodes_t, nodes_a, nodes_v, nodes_p], axis=0)
    nodes_num = nodes_t.shape[0] * 4
    ar = jnp.arange(B)
    rows = jnp.concatenate([ar, ar + B, ar + 2 * B, ar + 3 * B])
    cols = jnp.concatenate([ar, ar, ar, ar])
    H = jnp.zeros((nodes_num, B), dtype=jnp.float32).at[rows, cols].set(1.0)
    # batch_size always equals B, so this term is exactly zero; it keeps the
    # traced batch_size argument folded into the computation.
    H = H + jnp.asarray(batch_size - B, dtype=jnp.float32)
    Bd = jnp.diag(jnp.sum(H, axis=0))
    B_I = jnp.linalg.inv(Bd)
    hyperedges_list = B_I @ (H.T @ nodes_list)
    list_dist = _pairwise_l1(hyperedges_list)
    k2 = min(k_2, list_dist.shape[0])
    # torch.sort(descending=True) -> argsort of negated values
    idx_sort = jnp.argsort(-list_dist, axis=1)
    idx_max = idx_sort[:, :k2]
    # NB: original code calls torch.clamp_max out-of-place and discards result,
    # so no clamping is actually applied; new-column hashes are never appended
    # to H_hash, so dedup is only vs the initial columns. Each candidate column
    # sums to 4 * (k2 + 1) while every initial column sums to 4, so the dedup
    # never excludes a candidate: every column i gets
    # H[:, i] + H[:, idx_max[i]].sum(axis=1) appended.
    H_new = H + jnp.sum(H[:, idx_max], axis=2)
    H = jnp.concatenate([H, H_new], axis=1)
    return H, nodes_list


def reference(nodes_t, nodes_a, nodes_v, nodes_p, batch_size):
    H, nodes_list = _build_H(nodes_t, nodes_a, nodes_v, nodes_p, batch_size, K_2)
    col_sum = jnp.sum(H, axis=0)
    row_sum = jnp.sum(H, axis=1)
    # BH_T = (H / colsum).T ; DH = H / rowsum ; adjacency = DH @ BH_T (dense
    # equivalent of the scipy coo pipeline)
    BH_T = (H / col_sum[None, :]).T
    DH = H / row_sum[:, None]
    adjacency = DH @ BH_T
    return adjacency, nodes_list

if __name__ == "__main__":
    import jax
    _d = setup_inputs()
    print(jax.jit(kernel)(*tuple(_d.values())))

</pallas_src>

<mosaic_0001>
#map = affine_map<(d0, d1) -> (0, 0)>
module attributes {stable_mosaic.version = 14 : i64} {
  func.func @k(%arg0: i32, %arg1: i32, %arg2: memref<1024x64xf32, #tpu.memory_space<hbm>>, %arg3: memref<1024x64xf32, #tpu.memory_space<hbm>>, %arg4: memref<1024x64xf32, #tpu.memory_space<hbm>>, %arg5: memref<1024x64xf32, #tpu.memory_space<hbm>>, %arg6: memref<4096x64xf32, #tpu.memory_space<hbm>>, %arg7: memref<32x64xf32, #tpu.memory_space<vmem>>) attributes {dimension_semantics = [#tpu.dimension_semantics<core_parallel>, #tpu.dimension_semantics<subcore_parallel>], iteration_bounds = array<i64: 2, 16>, scalar_prefetch = 0 : i64, scratch_operands = 1 : i64, tpu.core_type = #tpu.core_type<sc_vector_subcore>, window_params = [{transform_indices = #map}, {transform_indices = #map}, {transform_indices = #map}, {transform_indices = #map}, {transform_indices = #map}]} {
    %mul3A = arith.constant 2 : i32
    %mul3A_0 = arith.muli %arg1, %mul3A : i32
    %add3A = arith.addi %mul3A_0, %arg0 : i32
    %mul3A_1 = arith.constant 32 : i32
    %mul3A_2 = arith.muli %add3A, %mul3A_1 : i32
    "tpu.region"() ({
      %run_scoped3A = tpu.sem_alloc : memref<!tpu.dma_semaphore, #tpu.memory_space<semaphore_mem>>
      %dma_start3A = arith.constant 0 : i32
      %dma_start3A_11 = tpu.memref_slice %arg2[%mul3A_2, %dma_start3A] : memref<1024x64xf32, #tpu.memory_space<hbm>> -> memref<32x64xf32, #tpu.memory_space<hbm>>
      %dma_start3A_12 = arith.constant 0 : i32
      %dma_start3A_13 = tpu.memref_slice %arg2[%mul3A_2, %dma_start3A_12] : memref<1024x64xf32, #tpu.memory_space<hbm>> -> memref<32x64xf32, #tpu.memory_space<hbm>>
      tpu.enqueue_dma source(%dma_start3A_13 : memref<32x64xf32, #tpu.memory_space<hbm>>) target(%arg7 : memref<32x64xf32, #tpu.memory_space<vmem>>) target_semaphore(%run_scoped3A : memref<!tpu.dma_semaphore, #tpu.memory_space<semaphore_mem>>)
      %dma_wait3A = arith.constant 0 : i32
      %dma_wait3A_14 = tpu.memref_slice %arg2[%mul3A_2, %dma_wait3A] : memref<1024x64xf32, #tpu.memory_space<hbm>> -> memref<32x64xf32, #tpu.memory_space<hbm>>
      %dma_wait3A_15 = arith.constant 0 : i32
      %dma_wait3A_16 = tpu.memref_slice %arg2[%mul3A_2, %dma_wait3A_15] : memref<1024x64xf32, #tpu.memory_space<hbm>> -> memref<32x64xf32, #tpu.memory_space<hbm>>
      tpu.wait_dma2 semaphore(%run_scoped3A : memref<!tpu.dma_semaphore, #tpu.memory_space<semaphore_mem>>) src(%dma_wait3A_16 : memref<32x64xf32, #tpu.memory_space<hbm>>) dst(%arg7 : memref<32x64xf32, #tpu.memory_space<vmem>>)
      tpu.yield
    }) : () -> ()
    %add3A_3 = arith.constant 0 : i32
    %add3A_4 = arith.addi %add3A_3, %mul3A_2 : i32
    "tpu.region"() ({
      %run_scoped3A = tpu.sem_alloc : memref<!tpu.dma_semaphore, #tpu.memory_space<semaphore_mem>>
      %dma_start3A = arith.constant 0 : i32
      %dma_start3A_11 = tpu.memref_slice %arg6[%add3A_4, %dma_start3A] : memref<4096x64xf32, #tpu.memory_space<hbm>> -> memref<32x64xf32, #tpu.memory_space<hbm>>
      %dma_start3A_12 = arith.constant 0 : i32
      %dma_start3A_13 = tpu.memref_slice %arg6[%add3A_4, %dma_start3A_12] : memref<4096x64xf32, #tpu.memory_space<hbm>> -> memref<32x64xf32, #tpu.memory_space<hbm>>
      tpu.enqueue_dma source(%arg7 : memref<32x64xf32, #tpu.memory_space<vmem>>) target(%dma_start3A_13 : memref<32x64xf32, #tpu.memory_space<hbm>>) target_semaphore(%run_scoped3A : memref<!tpu.dma_semaphore, #tpu.memory_space<semaphore_mem>>)
      %dma_wait3A = arith.constant 0 : i32
      %dma_wait3A_14 = tpu.memref_slice %arg6[%add3A_4, %dma_wait3A] : memref<4096x64xf32, #tpu.memory_space<hbm>> -> memref<32x64xf32, #tpu.memory_space<hbm>>
      %dma_wait3A_15 = arith.constant 0 : i32
      %dma_wait3A_16 = tpu.memref_slice %arg6[%add3A_4, %dma_wait3A_15] : memref<4096x64xf32, #tpu.memory_space<hbm>> -> memref<32x64xf32, #tpu.memory_space<hbm>>
      tpu.wait_dma2 semaphore(%run_scoped3A : memref<!tpu.dma_semaphore, #tpu.memory_space<semaphore_mem>>) src(%arg7 : memref<32x64xf32, #tpu.memory_space<vmem>>) dst(%dma_wait3A_16 : memref<32x64xf32, #tpu.memory_space<hbm>>)
      tpu.yield
    }) : () -> ()
    "tpu.region"() ({
      %run_scoped3A = tpu.sem_alloc : memref<!tpu.dma_semaphore, #tpu.memory_space<semaphore_mem>>
      %dma_start3A = arith.constant 0 : i32
      %dma_start3A_11 = tpu.memref_slice %arg3[%mul3A_2, %dma_start3A] : memref<1024x64xf32, #tpu.memory_space<hbm>> -> memref<32x64xf32, #tpu.memory_space<hbm>>
      %dma_start3A_12 = arith.constant 0 : i32
      %dma_start3A_13 = tpu.memref_slice %arg3[%mul3A_2, %dma_start3A_12] : memref<1024x64xf32, #tpu.memory_space<hbm>> -> memref<32x64xf32, #tpu.memory_space<hbm>>
      tpu.enqueue_dma source(%dma_start3A_13 : memref<32x64xf32, #tpu.memory_space<hbm>>) target(%arg7 : memref<32x64xf32, #tpu.memory_space<vmem>>) target_semaphore(%run_scoped3A : memref<!tpu.dma_semaphore, #tpu.memory_space<semaphore_mem>>)
      %dma_wait3A = arith.constant 0 : i32
      %dma_wait3A_14 = tpu.memref_slice %arg3[%mul3A_2, %dma_wait3A] : memref<1024x64xf32, #tpu.memory_space<hbm>> -> memref<32x64xf32, #tpu.memory_space<hbm>>
      %dma_wait3A_15 = arith.constant 0 : i32
      %dma_wait3A_16 = tpu.memref_slice %arg3[%mul3A_2, %dma_wait3A_15] : memref<1024x64xf32, #tpu.memory_space<hbm>> -> memref<32x64xf32, #tpu.memory_space<hbm>>
      tpu.wait_dma2 semaphore(%run_scoped3A : memref<!tpu.dma_semaphore, #tpu.memory_space<semaphore_mem>>) src(%dma_wait3A_16 : memref<32x64xf32, #tpu.memory_space<hbm>>) dst(%arg7 : memref<32x64xf32, #tpu.memory_space<vmem>>)
      tpu.yield
    }) : () -> ()
    %add3A_5 = arith.constant 1024 : i32
    %add3A_6 = arith.addi %add3A_5, %mul3A_2 : i32
    "tpu.region"() ({
      %run_scoped3A = tpu.sem_alloc : memref<!tpu.dma_semaphore, #tpu.memory_space<semaphore_mem>>
      %dma_start3A = arith.constant 0 : i32
      %dma_start3A_11 = tpu.memref_slice %arg6[%add3A_6, %dma_start3A] : memref<4096x64xf32, #tpu.memory_space<hbm>> -> memref<32x64xf32, #tpu.memory_space<hbm>>
      %dma_start3A_12 = arith.constant 0 : i32
      %dma_start3A_13 = tpu.memref_slice %arg6[%add3A_6, %dma_start3A_12] : memref<4096x64xf32, #tpu.memory_space<hbm>> -> memref<32x64xf32, #tpu.memory_space<hbm>>
      tpu.enqueue_dma source(%arg7 : memref<32x64xf32, #tpu.memory_space<vmem>>) target(%dma_start3A_13 : memref<32x64xf32, #tpu.memory_space<hbm>>) target_semaphore(%run_scoped3A : memref<!tpu.dma_semaphore, #tpu.memory_space<semaphore_mem>>)
      %dma_wait3A = arith.constant 0 : i32
      %dma_wait3A_14 = tpu.memref_slice %arg6[%add3A_6, %dma_wait3A] : memref<4096x64xf32, #tpu.memory_space<hbm>> -> memref<32x64xf32, #tpu.memory_space<hbm>>
      %dma_wait3A_15 = arith.constant 0 : i32
      %dma_wait3A_16 = tpu.memref_slice %arg6[%add3A_6, %dma_wait3A_15] : memref<4096x64xf32, #tpu.memory_space<hbm>> -> memref<32x64xf32, #tpu.memory_space<hbm>>
      tpu.wait_dma2 semaphore(%run_scoped3A : memref<!tpu.dma_semaphore, #tpu.memory_space<semaphore_mem>>) src(%arg7 : memref<32x64xf32, #tpu.memory_space<vmem>>) dst(%dma_wait3A_16 : memref<32x64xf32, #tpu.memory_space<hbm>>)
      tpu.yield
    }) : () -> ()
    "tpu.region"() ({
      %run_scoped3A = tpu.sem_alloc : memref<!tpu.dma_semaphore, #tpu.memory_space<semaphore_mem>>
      %dma_start3A = arith.constant 0 : i32
      %dma_start3A_11 = tpu.memref_slice %arg4[%mul3A_2, %dma_start3A] : memref<1024x64xf32, #tpu.memory_space<hbm>> -> memref<32x64xf32, #tpu.memory_space<hbm>>
      %dma_start3A_12 = arith.constant 0 : i32
      %dma_start3A_13 = tpu.memref_slice %arg4[%mul3A_2, %dma_start3A_12] : memref<1024x64xf32, #tpu.memory_space<hbm>> -> memref<32x64xf32, #tpu.memory_space<hbm>>
      tpu.enqueue_dma source(%dma_start3A_13 : memref<32x64xf32, #tpu.memory_space<hbm>>) target(%arg7 : memref<32x64xf32, #tpu.memory_space<vmem>>) target_semaphore(%run_scoped3A : memref<!tpu.dma_semaphore, #tpu.memory_space<semaphore_mem>>)
      %dma_wait3A = arith.constant 0 : i32
      %dma_wait3A_14 = tpu.memref_slice %arg4[%mul3A_2, %dma_wait3A] : memref<1024x64xf32, #tpu.memory_space<hbm>> -> memref<32x64xf32, #tpu.memory_space<hbm>>
      %dma_wait3A_15 = arith.constant 0 : i32
      %dma_wait3A_16 = tpu.memref_slice %arg4[%mul3A_2, %dma_wait3A_15] : memref<1024x64xf32, #tpu.memory_space<hbm>> -> memref<32x64xf32, #tpu.memory_space<hbm>>
      tpu.wait_dma2 semaphore(%run_scoped3A : memref<!tpu.dma_semaphore, #tpu.memory_space<semaphore_mem>>) src(%dma_wait3A_16 : memref<32x64xf32, #tpu.memory_space<hbm>>) dst(%arg7 : memref<32x64xf32, #tpu.memory_space<vmem>>)
      tpu.yield
    }) : () -> ()
    %add3A_7 = arith.constant 2048 : i32
    %add3A_8 = arith.addi %add3A_7, %mul3A_2 : i32
    "tpu.region"() ({
      %run_scoped3A = tpu.sem_alloc : memref<!tpu.dma_semaphore, #tpu.memory_space<semaphore_mem>>
      %dma_start3A = arith.constant 0 : i32
      %dma_start3A_11 = tpu.memref_slice %arg6[%add3A_8, %dma_start3A] : memref<4096x64xf32, #tpu.memory_space<hbm>> -> memref<32x64xf32, #tpu.memory_space<hbm>>
      %dma_start3A_12 = arith.constant 0 : i32
      %dma_start3A_13 = tpu.memref_slice %arg6[%add3A_8, %dma_start3A_12] : memref<4096x64xf32, #tpu.memory_space<hbm>> -> memref<32x64xf32, #tpu.memory_space<hbm>>
      tpu.enqueue_dma source(%arg7 : memref<32x64xf32, #tpu.memory_space<vmem>>) target(%dma_start3A_13 : memref<32x64xf32, #tpu.memory_space<hbm>>) target_semaphore(%run_scoped3A : memref<!tpu.dma_semaphore, #tpu.memory_space<semaphore_mem>>)
      %dma_wait3A = arith.constant 0 : i32
      %dma_wait3A_14 = tpu.memref_slice %arg6[%add3A_8, %dma_wait3A] : memref<4096x64xf32, #tpu.memory_space<hbm>> -> memref<32x64xf32, #tpu.memory_space<hbm>>
      %dma_wait3A_15 = arith.constant 0 : i32
      %dma_wait3A_16 = tpu.memref_slice %arg6[%add3A_8, %dma_wait3A_15] : memref<4096x64xf32, #tpu.memory_space<hbm>> -> memref<32x64xf32, #tpu.memory_space<hbm>>
      tpu.wait_dma2 semaphore(%run_scoped3A : memref<!tpu.dma_semaphore, #tpu.memory_space<semaphore_mem>>) src(%arg7 : memref<32x64xf32, #tpu.memory_space<vmem>>) dst(%dma_wait3A_16 : memref<32x64xf32, #tpu.memory_space<hbm>>)
      tpu.yield
    }) : () -> ()
    "tpu.region"() ({
      %run_scoped3A = tpu.sem_alloc : memref<!tpu.dma_semaphore, #tpu.memory_space<semaphore_mem>>
      %dma_start3A = arith.constant 0 : i32
      %dma_start3A_11 = tpu.memref_slice %arg5[%mul3A_2, %dma_start3A] : memref<1024x64xf32, #tpu.memory_space<hbm>> -> memref<32x64xf32, #tpu.memory_space<hbm>>
      %dma_start3A_12 = arith.constant 0 : i32
      %dma_start3A_13 = tpu.memref_slice %arg5[%mul3A_2, %dma_start3A_12] : memref<1024x64xf32, #tpu.memory_space<hbm>> -> memref<32x64xf32, #tpu.memory_space<hbm>>
      tpu.enqueue_dma source(%dma_start3A_13 : memref<32x64xf32, #tpu.memory_space<hbm>>) target(%arg7 : memref<32x64xf32, #tpu.memory_space<vmem>>) target_semaphore(%run_scoped3A : memref<!tpu.dma_semaphore, #tpu.memory_space<semaphore_mem>>)
      %dma_wait3A = arith.constant 0 : i32
      %dma_wait3A_14 = tpu.memref_slice %arg5[%mul3A_2, %dma_wait3A] : memref<1024x64xf32, #tpu.memory_space<hbm>> -> memref<32x64xf32, #tpu.memory_space<hbm>>
      %dma_wait3A_15 = arith.constant 0 : i32
      %dma_wait3A_16 = tpu.memref_slice %arg5[%mul3A_2, %dma_wait3A_15] : memref<1024x64xf32, #tpu.memory_space<hbm>> -> memref<32x64xf32, #tpu.memory_space<hbm>>
      tpu.wait_dma2 semaphore(%run_scoped3A : memref<!tpu.dma_semaphore, #tpu.memory_space<semaphore_mem>>) src(%dma_wait3A_16 : memref<32x64xf32, #tpu.memory_space<hbm>>) dst(%arg7 : memref<32x64xf32, #tpu.memory_space<vmem>>)
      tpu.yield
    }) : () -> ()
    %add3A_9 = arith.constant 3072 : i32
    %add3A_10 = arith.addi %add3A_9, %mul3A_2 : i32
    "tpu.region"() ({
      %run_scoped3A = tpu.sem_alloc : memref<!tpu.dma_semaphore, #tpu.memory_space<semaphore_mem>>
      %dma_start3A = arith.constant 0 : i32
      %dma_start3A_11 = tpu.memref_slice %arg6[%add3A_10, %dma_start3A] : memref<4096x64xf32, #tpu.memory_space<hbm>> -> memref<32x64xf32, #tpu.memory_space<hbm>>
      %dma_start3A_12 = arith.constant 0 : i32
      %dma_start3A_13 = tpu.memref_slice %arg6[%add3A_10, %dma_start3A_12] : memref<4096x64xf32, #tpu.memory_space<hbm>> -> memref<32x64xf32, #tpu.memory_space<hbm>>
      tpu.enqueue_dma source(%arg7 : memref<32x64xf32, #tpu.memory_space<vmem>>) target(%dma_start3A_13 : memref<32x64xf32, #tpu.memory_space<hbm>>) target_semaphore(%run_scoped3A : memref<!tpu.dma_semaphore, #tpu.memory_space<semaphore_mem>>)
      %dma_wait3A = arith.constant 0 : i32
      %dma_wait3A_14 = tpu.memref_slice %arg6[%add3A_10, %dma_wait3A] : memref<4096x64xf32, #tpu.memory_space<hbm>> -> memref<32x64xf32, #tpu.memory_space<hbm>>
      %dma_wait3A_15 = arith.constant 0 : i32
      %dma_wait3A_16 = tpu.memref_slice %arg6[%add3A_10, %dma_wait3A_15] : memref<4096x64xf32, #tpu.memory_space<hbm>> -> memref<32x64xf32, #tpu.memory_space<hbm>>
      tpu.wait_dma2 semaphore(%run_scoped3A : memref<!tpu.dma_semaphore, #tpu.memory_space<semaphore_mem>>) src(%arg7 : memref<32x64xf32, #tpu.memory_space<vmem>>) dst(%dma_wait3A_16 : memref<32x64xf32, #tpu.memory_space<hbm>>)
      tpu.yield
    }) : () -> ()
    return
  }
}

module attributes {stable_mosaic.version = 14 : i64} {
  func.func @_assemble_tile_kernel(%arg0: i32, %arg1: i32, %arg2: memref<1024x1024xf32, #tpu.memory_space<vmem>>, %arg3: memref<1024x1024xf32, #tpu.memory_space<vmem>>, %arg4: memref<1024x1024xf32, #tpu.memory_space<vmem>>) attributes {dimension_semantics = [#tpu.dimension_semantics<arbitrary>, #tpu.dimension_semantics<arbitrary>], iteration_bounds = array<i64: 4, 4>, scalar_prefetch = 0 : i64, scratch_operands = 1 : i64, tpu.core_type = #tpu.core_type<tc>, window_params = [{pipeline_mode = #tpu.pipeline_mode<synchronous>, transform_indices = @transform_0, window_bounds = array<i64: 1024, 1024>}, {transform_indices = @transform_1, window_bounds = array<i64: 1024, 1024>}]} {
    %eq3A = arith.constant 0 : i32
    %eq3A_0 = arith.cmpi eq, %arg0, %eq3A : i32
    %eq3A_1 = arith.constant 0 : i32
    %eq3A_2 = arith.cmpi eq, %arg1, %eq3A_1 : i32
    %and3A = arith.andi %eq3A_0, %eq3A_2 : i1
    %convert_element_type3A = arith.extui %and3A : i1 to i32
    %cond3A = arith.constant 0 : i32
    %cond3A_3 = arith.cmpi ne, %convert_element_type3A, %cond3A : i32
    scf.if %cond3A_3 {
      %get3A_8 = arith.constant 0 : index
      %get3A_9 = arith.constant 0 : index
      %get3A_10 = vector.load %arg2[%get3A_8, %get3A_9] : memref<1024x1024xf32, #tpu.memory_space<vmem>>, vector<1024x1024xf32>
      %iota3A = tpu.iota {dimensions = array<i32: 0>} : vector<1024x1024xi32>
      %iota3A_11 = tpu.iota {dimensions = array<i32: 1>} : vector<1024x1024xi32>
      %eq3A_12 = arith.cmpi eq, %iota3A, %iota3A_11 : vector<1024x1024xi32>
      %convert_element_type3A_13 = arith.extui %eq3A_12 : vector<1024x1024xi1> to vector<1024x1024xi32>
      %convert_element_type3A_14 = arith.sitofp %convert_element_type3A_13 : vector<1024x1024xi32> to vector<1024x1024xf32>
      %reduce_sum3A = arith.constant dense<0.000000e+00> : vector<1024xf32>
      %reduce_sum3A_15 = vector.multi_reduction <add>, %get3A_10, %reduce_sum3A [1] : vector<1024x1024xf32> to vector<1024xf32>
      %broadcast_in_dim3A = vector.shape_cast %reduce_sum3A_15 : vector<1024xf32> to vector<1024x1xf32>
      %div3A = arith.constant 1.100000e+01 : f32
      %div3A_16 = vector.broadcast %div3A : f32 to vector<1024x1xf32>
      %div3A_17 = arith.divf %broadcast_in_dim3A, %div3A_16 : vector<1024x1xf32>
      %add3A = arith.constant 1.000000e+00 : f32
      %add3A_18 = vector.broadcast %add3A : f32 to vector<1024x1xf32>
      %add3A_19 = arith.addf %add3A_18, %div3A_17 : vector<1024x1xf32>
      %div3A_20 = arith.constant 1.000000e+00 : f32
      %div3A_21 = vector.broadcast %div3A_20 : f32 to vector<1024x1xf32>
      %div3A_22 = arith.divf %div3A_21, %add3A_19 : vector<1024x1xf32>
      %mul3A = arith.constant 2.500000e-01 : f32
      %mul3A_23 = vector.broadcast %mul3A : f32 to vector<1024x1024xf32>
      %mul3A_24 = arith.mulf %mul3A_23, %convert_element_type3A_14 : vector<1024x1024xf32>
      %mul3A_25 = arith.constant 0.0227272734 : f32
      %mul3A_26 = vector.broadcast %mul3A_25 : f32 to vector<1024x1024xf32>
      %mul3A_27 = arith.mulf %mul3A_26, %get3A_10 : vector<1024x1024xf32>
      %add3A_28 = arith.addf %mul3A_24, %mul3A_27 : vector<1024x1024xf32>
      %mul3A_29 = vector.broadcast %div3A_22 : vector<1024x1xf32> to vector<1024x1024xf32>
      %mul3A_30 = arith.mulf %mul3A_29, %add3A_28 : vector<1024x1024xf32>
      %swap3A_31 = arith.constant 0 : index
      %swap3A_32 = arith.constant 0 : index
      %swap3A_33 = vector.load %arg4[%swap3A_31, %swap3A_32] : memref<1024x1024xf32, #tpu.memory_space<vmem>>, vector<1024x1024xf32>
      tpu.vector_store %arg4[%swap3A_31, %swap3A_32], %mul3A_30 {strides = array<i32>} : memref<1024x1024xf32, #tpu.memory_space<vmem>>, vector<1024x1024xf32>,
    } else {
    }
    %get3A = arith.constant 0 : index
    %get3A_4 = arith.constant 0 : index
    %get3A_5 = vector.load %arg4[%get3A, %get3A_4] : memref<1024x1024xf32, #tpu.memory_space<vmem>>, vector<1024x1024xf32>
    %swap3A = arith.constant 0 : index
    %swap3A_6 = arith.constant 0 : index
    %swap3A_7 = vector.load %arg3[%swap3A, %swap3A_6] : memref<1024x1024xf32, #tpu.memory_space<vmem>>, vector<1024x1024xf32>
    tpu.vector_store %arg3[%swap3A, %swap3A_6], %get3A_5 {strides = array<i32>} : memref<1024x1024xf32, #tpu.memory_space<vmem>>, vector<1024x1024xf32>,
    return
  }
  func.func @transform_0(%arg0: i32, %arg1: i32) -> (i32, i32) {
    %c0_i32 = arith.constant 0 : i32
    %c0_i32_0 = arith.constant 0 : i32
    %c0_i32_1 = arith.constant 0 : i32
    return %c0_i32, %c0_i32_0 : i32, i32
  }
  func.func @transform_1(%arg0: i32, %arg1: i32) -> (i32, i32) {
    %c0_i32 = arith.constant 0 : i32
    return %arg0, %arg1 : i32, i32
  }
}

module attributes {stable_mosaic.version = 14 : i64} {
  func.func @_dist_topk_gram_kernel(%arg0: i32, %arg1: memref<256x64xf32, #tpu.memory_space<vmem>>, %arg2: memref<256x64xf32, #tpu.memory_space<vmem>>, %arg3: memref<256x64xf32, #tpu.memory_space<vmem>>, %arg4: memref<256x64xf32, #tpu.memory_space<vmem>>, %arg5: memref<64x1024xf32, #tpu.memory_space<vmem>>, %arg6: memref<64x1024xf32, #tpu.memory_space<vmem>>, %arg7: memref<64x1024xf32, #tpu.memory_space<vmem>>, %arg8: memref<64x1024xf32, #tpu.memory_space<vmem>>, %arg9: memref<1024x1024xf32, #tpu.memory_space<vmem>>) attributes {dimension_semantics = [#tpu.dimension_semantics<arbitrary>], iteration_bounds = array<i64: 4>, scalar_prefetch = 0 : i64, scratch_operands = 0 : i64, tpu.core_type = #tpu.core_type<tc>, window_params = [{transform_indices = @transform_0, window_bounds = array<i64: 256, 64>}, {transform_indices = @transform_1, window_bounds = array<i64: 256, 64>}, {transform_indices = @transform_2, window_bounds = array<i64: 256, 64>}, {transform_indices = @transform_3, window_bounds = array<i64: 256, 64>}, {pipeline_mode = #tpu.pipeline_mode<synchronous>, transform_indices = @transform_4, window_bounds = array<i64: 64, 1024>}, {pipeline_mode = #tpu.pipeline_mode<synchronous>, transform_indices = @transform_5, window_bounds = array<i64: 64, 1024>}, {pipeline_mode = #tpu.pipeline_mode<synchronous>, transform_indices = @transform_6, window_bounds = array<i64: 64, 1024>}, {pipeline_mode = #tpu.pipeline_mode<synchronous>, transform_indices = @transform_7, window_bounds = array<i64: 64, 1024>}, {pipeline_mode = #tpu.pipeline_mode<synchronous>, transform_indices = @transform_8, window_bounds = array<i64: 1024, 1024>}]} {
    %get3A = arith.constant 0 : index
    %get3A_0 = arith.constant 0 : index
    %get3A_1 = vector.load %arg1[%get3A, %get3A_0] : memref<256x64xf32, #tpu.memory_space<vmem>>, vector<256x64xf32>
    %get3A_2 = arith.constant 0 : index
    %get3A_3 = arith.constant 0 : index
    %get3A_4 = vector.load %arg2[%get3A_2, %get3A_3] : memref<256x64xf32, #tpu.memory_space<vmem>>, vector<256x64xf32>
    %get3A_5 = arith.constant 0 : index
    %get3A_6 = arith.constant 0 : index
    %get3A_7 = vector.load %arg3[%get3A_5, %get3A_6] : memref<256x64xf32, #tpu.memory_space<vmem>>, vector<256x64xf32>
    %get3A_8 = arith.constant 0 : index
    %get3A_9 = arith.constant 0 : index
    %get3A_10 = vector.load %arg4[%get3A_8, %get3A_9] : memref<256x64xf32, #tpu.memory_space<vmem>>, vector<256x64xf32>
    %convert_element_type3A = arith.truncf %get3A_1 : vector<256x64xf32> to vector<256x64xbf16>
    %convert_element_type3A_11 = arith.extf %convert_element_type3A : vector<256x64xbf16> to vector<256x64xf32>
    %convert_element_type3A_12 = arith.truncf %get3A_4 : vector<256x64xf32> to vector<256x64xbf16>
    %convert_element_type3A_13 = arith.extf %convert_element_type3A_12 : vector<256x64xbf16> to vector<256x64xf32>
    %add3A = arith.addf %convert_element_type3A_11, %convert_element_type3A_13 : vector<256x64xf32>
    %convert_element_type3A_14 = arith.truncf %get3A_7 : vector<256x64xf32> to vector<256x64xbf16>
    %convert_element_type3A_15 = arith.extf %convert_element_type3A_14 : vector<256x64xbf16> to vector<256x64xf32>
    %add3A_16 = arith.addf %add3A, %convert_element_type3A_15 : vector<256x64xf32>
    %convert_element_type3A_17 = arith.truncf %get3A_10 : vector<256x64xf32> to vector<256x64xbf16>
    %convert_element_type3A_18 = arith.extf %convert_element_type3A_17 : vector<256x64xbf16> to vector<256x64xf32>
    %add3A_19 = arith.addf %add3A_16, %convert_element_type3A_18 : vector<256x64xf32>
    %convert_element_type3A_20 = arith.truncf %add3A_19 : vector<256x64xf32> to vector<256x64xbf16>
    %convert_element_type3A_21 = arith.extf %convert_element_type3A_20 : vector<256x64xbf16> to vector<256x64xf32>
    %mul3A = arith.constant 2.500000e-01 : f32
    %mul3A_22 = vector.broadcast %mul3A : f32 to vector<256x64xf32>
    %mul3A_23 = arith.mulf %mul3A_22, %convert_element_type3A_21 : vector<256x64xf32>
    %get3A_24 = arith.constant 0 : index
    %get3A_25 = arith.constant 0 : index
    %get3A_26 = vector.load %arg5[%get3A_24, %get3A_25] : memref<64x1024xf32, #tpu.memory_space<vmem>>, vector<64x1024xf32>
    %get3A_27 = arith.constant 0 : index
    %get3A_28 = arith.constant 0 : index
    %get3A_29 = vector.load %arg6[%get3A_27, %get3A_28] : memref<64x1024xf32, #tpu.memory_space<vmem>>, vector<64x1024xf32>
    %get3A_30 = arith.constant 0 : index
    %get3A_31 = arith.constant 0 : index
    %get3A_32 = vector.load %arg7[%get3A_30, %get3A_31] : memref<64x1024xf32, #tpu.memory_space<vmem>>, vector<64x1024xf32>
    %get3A_33 = arith.constant 0 : index
    %get3A_34 = arith.constant 0 : index
    %get3A_35 = vector.load %arg8[%get3A_33, %get3A_34] : memref<64x1024xf32, #tpu.memory_space<vmem>>, vector<64x1024xf32>
    %convert_element_type3A_36 = arith.truncf %get3A_26 : vector<64x1024xf32> to vector<64x1024xbf16>
    %convert_element_type3A_37 = arith.extf %convert_element_type3A_36 : vector<64x1024xbf16> to vector<64x1024xf32>
    %convert_element_type3A_38 = arith.truncf %get3A_29 : vector<64x1024xf32> to vector<64x1024xbf16>
    %convert_element_type3A_39 = arith.extf %convert_element_type3A_38 : vector<64x1024xbf16> to vector<64x1024xf32>
    %add3A_40 = arith.addf %convert_element_type3A_37, %convert_element_type3A_39 : vector<64x1024xf32>
    %convert_element_type3A_41 = arith.truncf %get3A_32 : vector<64x1024xf32> to vector<64x1024xbf16>
    %convert_element_type3A_42 = arith.extf %convert_element_type3A_41 : vector<64x1024xbf16> to vector<64x1024xf32>
    %add3A_43 = arith.addf %add3A_40, %convert_element_type3A_42 : vector<64x1024xf32>
    %convert_element_type3A_44 = arith.truncf %get3A_35 : vector<64x1024xf32> to vector<64x1024xbf16>
    %convert_element_type3A_45 = arith.extf %convert_element_type3A_44 : vector<64x1024xbf16> to vector<64x1024xf32>
    %add3A_46 = arith.addf %add3A_43, %convert_element_type3A_45 : vector<64x1024xf32>
    %convert_element_type3A_47 = arith.truncf %add3A_46 : vector<64x1024xf32> to vector<64x1024xbf16>
    %convert_element_type3A_48 = arith.extf %convert_element_type3A_47 : vector<64x1024xbf16> to vector<64x1024xf32>
    %mul3A_49 = arith.constant 2.500000e-01 : f32
    %mul3A_50 = vector.broadcast %mul3A_49 : f32 to vector<64x1024xf32>
    %mul3A_51 = arith.mulf %mul3A_50, %convert_element_type3A_48 : vector<64x1024xf32>
    %broadcast_in_dim3A = arith.constant 0.000000e+00 : f32
    %broadcast_in_dim3A_52 = vector.broadcast %broadcast_in_dim3A : f32 to vector<256x1024xf32>
    %slice3A = vector.extract_strided_slice %mul3A_23 {offsets = [0, 0], sizes = [256, 1], strides = [1, 1]} : vector<256x64xf32> to vector<256x1xf32>
    %slice3A_53 = vector.extract_strided_slice %mul3A_51 {offsets = [0, 0], sizes = [1, 1024], strides = [1, 1]} : vector<64x1024xf32> to vector<1x1024xf32>
    %sub3A = vector.broadcast %slice3A : vector<256x1xf32> to vector<256x1024xf32>
    %sub3A_54 = vector.broadcast %slice3A_53 : vector<1x1024xf32> to vector<256x1024xf32>
    %sub3A_55 = arith.subf %sub3A, %sub3A_54 : vector<256x1024xf32>
    %abs3A = math.absf %sub3A_55 : vector<256x1024xf32>
    %add3A_56 = arith.addf %broadcast_in_dim3A_52, %abs3A : vector<256x1024xf32>
    %slice3A_57 = vector.extract_strided_slice %mul3A_23 {offsets = [0, 1], sizes = [256, 1], strides = [1, 1]} : vector<256x64xf32> to vector<256x1xf32>
    %slice3A_58 = vector.extract_strided_slice %mul3A_51 {offsets = [1, 0], sizes = [1, 1024], strides = [1, 1]} : vector<64x1024xf32> to vector<1x1024xf32>
    %sub3A_59 = vector.broadcast %slice3A_57 : vector<256x1xf32> to vector<256x1024xf32>
    %sub3A_60 = vector.broadcast %slice3A_58 : vector<1x1024xf32> to vector<256x1024xf32>
    %sub3A_61 = arith.subf %sub3A_59, %sub3A_60 : vector<256x1024xf32>
    %abs3A_62 = math.absf %sub3A_61 : vector<256x1024xf32>
    %add3A_63 = arith.addf %add3A_56, %abs3A_62 : vector<256x1024xf32>
    %slice3A_64 = vector.extract_strided_slice %mul3A_23 {offsets = [0, 2], sizes = [256, 1], strides = [1, 1]} : vector<256x64xf32> to vector<256x1xf32>
    %slice3A_65 = vector.extract_strided_slice %mul3A_51 {offsets = [2, 0], sizes = [1, 1024], strides = [1, 1]} : vector<64x1024xf32> to vector<1x1024xf32>
    %sub3A_66 = vector.broadcast %slice3A_64 : vector<256x1xf32> to vector<256x1024xf32>
    %sub3A_67 = vector.broadcast %slice3A_65 : vector<1x1024xf32> to vector<256x1024xf32>
    %sub3A_68 = arith.subf %sub3A_66, %sub3A_67 : vector<256x1024xf32>
    %abs3A_69 = math.absf %sub3A_68 : vector<256x1024xf32>
    %add3A_70 = arith.addf %add3A_63, %abs3A_69 : vector<256x1024xf32>
    %slice3A_71 = vector.extract_strided_slice %mul3A_23 {offsets = [0, 3], sizes = [256, 1], strides = [1, 1]} : vector<256x64xf32> to vector<256x1xf32>
    %slice3A_72 = vector.extract_strided_slice %mul3A_51 {offsets = [3, 0], sizes = [1, 1024], strides = [1, 1]} : vector<64x1024xf32> to vector<1x1024xf32>
    %sub3A_73 = vector.broadcast %slice3A_71 : vector<256x1xf32> to vector<256x1024xf32>
    %sub3A_74 = vector.broadcast %slice3A_72 : vector<1x1024xf32> to vector<256x1024xf32>
    %sub3A_75 = arith.subf %sub3A_73, %sub3A_74 : vector<256x1024xf32>
    %abs3A_76 = math.absf %sub3A_75 : vector<256x1024xf32>
    %add3A_77 = arith.addf %add3A_70, %abs3A_76 : vector<256x1024xf32>
    %slice3A_78 = vector.extract_strided_slice %mul3A_23 {offsets = [0, 4], sizes = [256, 1], strides = [1, 1]} : vector<256x64xf32> to vector<256x1xf32>
    %slice3A_79 = vector.extract_strided_slice %mul3A_51 {offsets = [4, 0], sizes = [1, 1024], strides = [1, 1]} : vector<64x1024xf32> to vector<1x1024xf32>
    %sub3A_80 = vector.broadcast %slice3A_78 : vector<256x1xf32> to vector<256x1024xf32>
    %sub3A_81 = vector.broadcast %slice3A_79 : vector<1x1024xf32> to vector<256x1024xf32>
    %sub3A_82 = arith.subf %sub3A_80, %sub3A_81 : vector<256x1024xf32>
    %abs3A_83 = math.absf %sub3A_82 : vector<256x1024xf32>
    %add3A_84 = arith.addf %add3A_77, %abs3A_83 : vector<256x1024xf32>
    %slice3A_85 = vector.extract_strided_slice %mul3A_23 {offsets = [0, 5], sizes = [256, 1], strides = [1, 1]} : vector<256x64xf32> to vector<256x1xf32>
    %slice3A_86 = vector.extract_strided_slice %mul3A_51 {offsets = [5, 0], sizes = [1, 1024], strides = [1, 1]} : vector<64x1024xf32> to vector<1x1024xf32>
    %sub3A_87 = vector.broadcast %slice3A_85 : vector<256x1xf32> to vector<256x1024xf32>
    %sub3A_88 = vector.broadcast %slice3A_86 : vector<1x1024xf32> to vector<256x1024xf32>
    %sub3A_89 = arith.subf %sub3A_87, %sub3A_88 : vector<256x1024xf32>
    %abs3A_90 = math.absf %sub3A_89 : vector<256x1024xf32>
    %add3A_91 = arith.addf %add3A_84, %abs3A_90 : vector<256x1024xf32>
    %slice3A_92 = vector.extract_strided_slice %mul3A_23 {offsets = [0, 6], sizes = [256, 1], strides = [1, 1]} : vector<256x64xf32> to vector<256x1xf32>
    %slice3A_93 = vector.extract_strided_slice %mul3A_51 {offsets = [6, 0], sizes = [1, 1024], strides = [1, 1]} : vector<64x1024xf32> to vector<1x1024xf32>
    %sub3A_94 = vector.broadcast %slice3A_92 : vector<256x1xf32> to vector<256x1024xf32>
    %sub3A_95 = vector.broadcast %slice3A_93 : vector<1x1024xf32> to vector<256x1024xf32>
    %sub3A_96 = arith.subf %sub3A_94, %sub3A_95 : vector<256x1024xf32>
    %abs3A_97 = math.absf %sub3A_96 : vector<256x1024xf32>
    %add3A_98 = arith.addf %add3A_91, %abs3A_97 : vector<256x1024xf32>
    %slice3A_99 = vector.extract_strided_slice %mul3A_23 {offsets = [0, 7], sizes = [256, 1], strides = [1, 1]} : vector<256x64xf32> to vector<256x1xf32>
    %slice3A_100 = vector.extract_strided_slice %mul3A_51 {offsets = [7, 0], sizes = [1, 1024], strides = [1, 1]} : vector<64x1024xf32> to vector<1x1024xf32>
    %sub3A_101 = vector.broadcast %slice3A_99 : vector<256x1xf32> to vector<256x1024xf32>
    %sub3A_102 = vector.broadcast %slice3A_100 : vector<1x1024xf32> to vector<256x1024xf32>
    %sub3A_103 = arith.subf %sub3A_101, %sub3A_102 : vector<256x1024xf32>
    %abs3A_104 = math.absf %sub3A_103 : vector<256x1024xf32>
    %add3A_105 = arith.addf %add3A_98, %abs3A_104 : vector<256x1024xf32>
    %slice3A_106 = vector.extract_strided_slice %mul3A_23 {offsets = [0, 8], sizes = [256, 1], strides = [1, 1]} : vector<256x64xf32> to vector<256x1xf32>
    %slice3A_107 = vector.extract_strided_slice %mul3A_51 {offsets = [8, 0], sizes = [1, 1024], strides = [1, 1]} : vector<64x1024xf32> to vector<1x1024xf32>
    %sub3A_108 = vector.broadcast %slice3A_106 : vector<256x1xf32> to vector<256x1024xf32>
    %sub3A_109 = vector.broadcast %slice3A_107 : vector<1x1024xf32> to vector<256x1024xf32>
    %sub3A_110 = arith.subf %sub3A_108, %sub3A_109 : vector<256x1024xf32>
    %abs3A_111 = math.absf %sub3A_110 : vector<256x1024xf32>
    %add3A_112 = arith.addf %add3A_105, %abs3A_111 : vector<256x1024xf32>
    %slice3A_113 = vector.extract_strided_slice %mul3A_23 {offsets = [0, 9], sizes = [256, 1], strides = [1, 1]} : vector<256x64xf32> to vector<256x1xf32>
    %slice3A_114 = vector.extract_strided_slice %mul3A_51 {offsets = [9, 0], sizes = [1, 1024], strides = [1, 1]} : vector<64x1024xf32> to vector<1x1024xf32>
    %sub3A_115 = vector.broadcast %slice3A_113 : vector<256x1xf32> to vector<256x1024xf32>
    %sub3A_116 = vector.broadcast %slice3A_114 : vector<1x1024xf32> to vector<256x1024xf32>
    %sub3A_117 = arith.subf %sub3A_115, %sub3A_116 : vector<256x1024xf32>
    %abs3A_118 = math.absf %sub3A_117 : vector<256x1024xf32>
    %add3A_119 = arith.addf %add3A_112, %abs3A_118 : vector<256x1024xf32>
    %slice3A_120 = vector.extract_strided_slice %mul3A_23 {offsets = [0, 10], sizes = [256, 1], strides = [1, 1]} : vector<256x64xf32> to vector<256x1xf32>
    %slice3A_121 = vector.extract_strided_slice %mul3A_51 {offsets = [10, 0], sizes = [1, 1024], strides = [1, 1]} : vector<64x1024xf32> to vector<1x1024xf32>
    %sub3A_122 = vector.broadcast %slice3A_120 : vector<256x1xf32> to vector<256x1024xf32>
    %sub3A_123 = vector.broadcast %slice3A_121 : vector<1x1024xf32> to vector<256x1024xf32>
    %sub3A_124 = arith.subf %sub3A_122, %sub3A_123 : vector<256x1024xf32>
    %abs3A_125 = math.absf %sub3A_124 : vector<256x1024xf32>
    %add3A_126 = arith.addf %add3A_119, %abs3A_125 : vector<256x1024xf32>
    %slice3A_127 = vector.extract_strided_slice %mul3A_23 {offsets = [0, 11], sizes = [256, 1], strides = [1, 1]} : vector<256x64xf32> to vector<256x1xf32>
    %slice3A_128 = vector.extract_strided_slice %mul3A_51 {offsets = [11, 0], sizes = [1, 1024], strides = [1, 1]} : vector<64x1024xf32> to vector<1x1024xf32>
    %sub3A_129 = vector.broadcast %slice3A_127 : vector<256x1xf32> to vector<256x1024xf32>
    %sub3A_130 = vector.broadcast %slice3A_128 : vector<1x1024xf32> to vector<256x1024xf32>
    %sub3A_131 = arith.subf %sub3A_129, %sub3A_130 : vector<256x1024xf32>
    %abs3A_132 = math.absf %sub3A_131 : vector<256x1024xf32>
    %add3A_133 = arith.addf %add3A_126, %abs3A_132 : vector<256x1024xf32>
    %slice3A_134 = vector.extract_strided_slice %mul3A_23 {offsets = [0, 12], sizes = [256, 1], strides = [1, 1]} : vector<256x64xf32> to vector<256x1xf32>
    %slice3A_135 = vector.extract_strided_slice %mul3A_51 {offsets = [12, 0], sizes = [1, 1024], strides = [1, 1]} : vector<64x1024xf32> to vector<1x1024xf32>
    %sub3A_136 = vector.broadcast %slice3A_134 : vector<256x1xf32> to vector<256x1024xf32>
    %sub3A_137 = vector.broadcast %slice3A_135 : vector<1x1024xf32> to vector<256x1024xf32>
    %sub3A_138 = arith.subf %sub3A_136, %sub3A_137 : vector<256x1024xf32>
    %abs3A_139 = math.absf %sub3A_138 : vector<256x1024xf32>
    %add3A_140 = arith.addf %add3A_133, %abs3A_139 : vector<256x1024xf32>
    %slice3A_141 = vector.extract_strided_slice %mul3A_23 {offsets = [0, 13], sizes = [256, 1], strides = [1, 1]} : vector<256x64xf32> to vector<256x1xf32>
    %slice3A_142 = vector.extract_strided_slice %mul3A_51 {offsets = [13, 0], sizes = [1, 1024], strides = [1, 1]} : vector<64x1024xf32> to vector<1x1024xf32>
    %sub3A_143 = vector.broadcast %slice3A_141 : vector<256x1xf32> to vector<256x1024xf32>
    %sub3A_144 = vector.broadcast %slice3A_142 : vector<1x1024xf32> to vector<256x1024xf32>
    %sub3A_145 = arith.subf %sub3A_143, %sub3A_144 : vector<256x1024xf32>
    %abs3A_146 = math.absf %sub3A_145 : vector<256x1024xf32>
    %add3A_147 = arith.addf %add3A_140, %abs3A_146 : vector<256x1024xf32>
    %slice3A_148 = vector.extract_strided_slice %mul3A_23 {offsets = [0, 14], sizes = [256, 1], strides = [1, 1]} : vector<256x64xf32> to vector<256x1xf32>
    %slice3A_149 = vector.extract_strided_slice %mul3A_51 {offsets = [14, 0], sizes = [1, 1024], strides = [1, 1]} : vector<64x1024xf32> to vector<1x1024xf32>
    %sub3A_150 = vector.broadcast %slice3A_148 : vector<256x1xf32> to vector<256x1024xf32>
    %sub3A_151 = vector.broadcast %slice3A_149 : vector<1x1024xf32> to vector<256x1024xf32>
    %sub3A_152 = arith.subf %sub3A_150, %sub3A_151 : vector<256x1024xf32>
    %abs3A_153 = math.absf %sub3A_152 : vector<256x1024xf32>
    %add3A_154 = arith.addf %add3A_147, %abs3A_153 : vector<256x1024xf32>
    %slice3A_155 = vector.extract_strided_slice %mul3A_23 {offsets = [0, 15], sizes = [256, 1], strides = [1, 1]} : vector<256x64xf32> to vector<256x1xf32>
    %slice3A_156 = vector.extract_strided_slice %mul3A_51 {offsets = [15, 0], sizes = [1, 1024], strides = [1, 1]} : vector<64x1024xf32> to vector<1x1024xf32>
    %sub3A_157 = vector.broadcast %slice3A_155 : vector<256x1xf32> to vector<256x1024xf32>
    %sub3A_158 = vector.broadcast %slice3A_156 : vector<1x1024xf32> to vector<256x1024xf32>
    %sub3A_159 = arith.subf %sub3A_157, %sub3A_158 : vector<256x1024xf32>
    %abs3A_160 = math.absf %sub3A_159 : vector<256x1024xf32>
    %add3A_161 = arith.addf %add3A_154, %abs3A_160 : vector<256x1024xf32>
    %slice3A_162 = vector.extract_strided_slice %mul3A_23 {offsets = [0, 16], sizes = [256, 1], strides = [1, 1]} : vector<256x64xf32> to vector<256x1xf32>
    %slice3A_163 = vector.extract_strided_slice %mul3A_51 {offsets = [16, 0], sizes = [1, 1024], strides = [1, 1]} : vector<64x1024xf32> to vector<1x1024xf32>
    %sub3A_164 = vector.broadcast %slice3A_162 : vector<256x1xf32> to vector<256x1024xf32>
    %sub3A_165 = vector.broadcast %slice3A_163 : vector<1x1024xf32> to vector<256x1024xf32>
    %sub3A_166 = arith.subf %sub3A_164, %sub3A_165 : vector<256x1024xf32>
    %abs3A_167 = math.absf %sub3A_166 : vector<256x1024xf32>
    %add3A_168 = arith.addf %add3A_161, %abs3A_167 : vector<256x1024xf32>
    %slice3A_169 = vector.extract_strided_slice %mul3A_23 {offsets = [0, 17], sizes = [256, 1], strides = [1, 1]} : vector<256x64xf32> to vector<256x1xf32>
    %slice3A_170 = vector.extract_strided_slice %mul3A_51 {offsets = [17, 0], sizes = [1, 1024], strides = [1, 1]} : vector<64x1024xf32> to vector<1x1024xf32>
    %sub3A_171 = vector.broadcast %slice3A_169 : vector<256x1xf32> to vector<256x1024xf32>
    %sub3A_172 = vector.broadcast %slice3A_170 : vector<1x1024xf32> to vector<256x1024xf32>
    %sub3A_173 = arith.subf %sub3A_171, %sub3A_172 : vector<256x1024xf32>
    %abs3A_174 = math.absf %sub3A_173 : vector<256x1024xf32>
    %add3A_175 = arith.addf %add3A_168, %abs3A_174 : vector<256x1024xf32>
    %slice3A_176 = vector.extract_strided_slice %mul3A_23 {offsets = [0, 18], sizes = [256, 1], strides = [1, 1]} : vector<256x64xf32> to vector<256x1xf32>
    %slice3A_177 = vector.extract_strided_slice %mul3A_51 {offsets = [18, 0], sizes = [1, 1024], strides = [1, 1]} : vector<64x1024xf32> to vector<1x1024xf32>
    %sub3A_178 = vector.broadcast %slice3A_176 : vector<256x1xf32> to vector<256x1024xf32>
    %sub3A_179 = vector.broadcast %slice3A_177 : vector<1x1024xf32> to vector<256x1024xf32>
    %sub3A_180 = arith.subf %sub3A_178, %sub3A_179 : vector<256x1024xf32>
    %abs3A_181 = math.absf %sub3A_180 : vector<256x1024xf32>
    %add3A_182 = arith.addf %add3A_175, %abs3A_181 : vector<256x1024xf32>
    %slice3A_183 = vector.extract_strided_slice %mul3A_23 {offsets = [0, 19], sizes = [256, 1], strides = [1, 1]} : vector<256x64xf32> to vector<256x1xf32>
    %slice3A_184 = vector.extract_strided_slice %mul3A_51 {offsets = [19, 0], sizes = [1, 1024], strides = [1, 1]} : vector<64x1024xf32> to vector<1x1024xf32>
    %sub3A_185 = vector.broadcast %slice3A_183 : vector<256x1xf32> to vector<256x1024xf32>
    %sub3A_186 = vector.broadcast %slice3A_184 : vector<1x1024xf32> to vector<256x1024xf32>
    %sub3A_187 = arith.subf %sub3A_185, %sub3A_186 : vector<256x1024xf32>
    %abs3A_188 = math.absf %sub3A_187 : vector<256x1024xf32>
    %add3A_189 = arith.addf %add3A_182, %abs3A_188 : vector<256x1024xf32>
    %slice3A_190 = vector.extract_strided_slice %mul3A_23 {offsets = [0, 20], sizes = [256, 1], strides = [1, 1]} : vector<256x64xf32> to vector<256x1xf32>
    %slice3A_191 = vector.extract_strided_slice %mul3A_51 {offsets = [20, 0], sizes = [1, 1024], strides = [1, 1]} : vector<64x1024xf32> to vector<1x1024xf32>
    %sub3A_192 = vector.broadcast %slice3A_190 : vector<256x1xf32> to vector<256x1024xf32>
    %sub3A_193 = vector.broadcast %slice3A_191 : vector<1x1024xf32> to vector<256x1024xf32>
    %sub3A_194 = arith.subf %sub3A_192, %sub3A_193 : vector<256x1024xf32>
    %abs3A_195 = math.absf %sub3A_194 : vector<256x1024xf32>
    %add3A_196 = arith.addf %add3A_189, %abs3A_195 : vector<256x1024xf32>
    %slice3A_197 = vector.extract_strided_slice %mul3A_23 {offsets = [0, 21], sizes = [256, 1], strides = [1, 1]} : vector<256x64xf32> to vector<256x1xf32>
    %slice3A_198 = vector.extract_strided_slice %mul3A_51 {offsets = [21, 0], sizes = [1, 1024], strides = [1, 1]} : vector<64x1024xf32> to vector<1x1024xf32>
    %sub3A_199 = vector.broadcast %slice3A_197 : vector<256x1xf32> to vector<256x1024xf32>
    %sub3A_200 = vector.broadcast %slice3A_198 : vector<1x1024xf32> to vector<256x1024xf32>
    %sub3A_201 = arith.subf %sub3A_199, %sub3A_200 : vector<256x1024xf32>
    %abs3A_202 = math.absf %sub3A_201 : vector<256x1024xf32>
    %add3A_203 = arith.addf %add3A_196, %abs3A_202 : vector<256x1024xf32>
    %slice3A_204 = vector.extract_strided_slice %mul3A_23 {offsets = [0, 22], sizes = [256, 1], strides = [1, 1]} : vector<256x64xf32> to vector<256x1xf32>
    %slice3A_205 = vector.extract_strided_slice %mul3A_51 {offsets = [22, 0], sizes = [1, 1024], strides = [1, 1]} : vector<64x1024xf32> to vector<1x1024xf32>
    %sub3A_206 = vector.broadcast %slice3A_204 : vector<256x1xf32> to vector<256x1024xf32>
    %sub3A_207 = vector.broadcast %slice3A_205 : vector<1x1024xf32> to vector<256x1024xf32>
    %sub3A_208 = arith.subf %sub3A_206, %sub3A_207 : vector<256x1024xf32>
    %abs3A_209 = math.absf %sub3A_208 : vector<256x1024xf32>
    %add3A_210 = arith.addf %add3A_203, %abs3A_209 : vector<256x1024xf32>
    %slice3A_211 = vector.extract_strided_slice %mul3A_23 {offsets = [0, 23], sizes = [256, 1], strides = [1, 1]} : vector<256x64xf32> to vector<256x1xf32>
    %slice3A_212 = vector.extract_strided_slice %mul3A_51 {offsets = [23, 0], sizes = [1, 1024], strides = [1, 1]} : vector<64x1024xf32> to vector<1x1024xf32>
    %sub3A_213 = vector.broadcast %slice3A_211 : vector<256x1xf32> to vector<256x1024xf32>
    %sub3A_214 = vector.broadcast %slice3A_212 : vector<1x1024xf32> to vector<256x1024xf32>
    %sub3A_215 = arith.subf %sub3A_213, %sub3A_214 : vector<256x1024xf32>
    %abs3A_216 = math.absf %sub3A_215 : vector<256x1024xf32>
    %add3A_217 = arith.addf %add3A_210, %abs3A_216 : vector<256x1024xf32>
    %slice3A_218 = vector.extract_strided_slice %mul3A_23 {offsets = [0, 24], sizes = [256, 1], strides = [1, 1]} : vector<256x64xf32> to vector<256x1xf32>
    %slice3A_219 = vector.extract_strided_slice %mul3A_51 {offsets = [24, 0], sizes = [1, 1024], strides = [1, 1]} : vector<64x1024xf32> to vector<1x1024xf32>
    %sub3A_220 = vector.broadcast %slice3A_218 : vector<256x1xf32> to vector<256x1024xf32>
    %sub3A_221 = vector.broadcast %slice3A_219 : vector<1x1024xf32> to vector<256x1024xf32>
    %sub3A_222 = arith.subf %sub3A_220, %sub3A_221 : vector<256x1024xf32>
    %abs3A_223 = math.absf %sub3A_222 : vector<256x1024xf32>
    %add3A_224 = arith.addf %add3A_217, %abs3A_223 : vector<256x1024xf32>
    %slice3A_225 = vector.extract_strided_slice %mul3A_23 {offsets = [0, 25], sizes = [256, 1], strides = [1, 1]} : vector<256x64xf32> to vector<256x1xf32>
    %slice3A_226 = vector.extract_strided_slice %mul3A_51 {offsets = [25, 0], sizes = [1, 1024], strides = [1, 1]} : vector<64x1024xf32> to vector<1x1024xf32>
    %sub3A_227 = vector.broadcast %slice3A_225 : vector<256x1xf32> to vector<256x1024xf32>
    %sub3A_228 = vector.broadcast %slice3A_226 : vector<1x1024xf32> to vector<256x1024xf32>
    %sub3A_229 = arith.subf %sub3A_227, %sub3A_228 : vector<256x1024xf32>
    %abs3A_230 = math.absf %sub3A_229 : vector<256x1024xf32>
    %add3A_231 = arith.addf %add3A_224, %abs3A_230 : vector<256x1024xf32>
    %slice3A_232 = vector.extract_strided_slice %mul3A_23 {offsets = [0, 26], sizes = [256, 1], strides = [1, 1]} : vector<256x64xf32> to vector<256x1xf32>
    %slice3A_233 = vector.extract_strided_slice %mul3A_51 {offsets = [26, 0], sizes = [1, 1024], strides = [1, 1]} : vector<64x1024xf32> to vector<1x1024xf32>
    %sub3A_234 = vector.broadcast %slice3A_232 : vector<256x1xf32> to vector<256x1024xf32>
    %sub3A_235 = vector.broadcast %slice3A_233 : vector<1x1024xf32> to vector<256x1024xf32>
    %sub3A_236 = arith.subf %sub3A_234, %sub3A_235 : vector<256x1024xf32>
    %abs3A_237 = math.absf %sub3A_236 : vector<256x1024xf32>
    %add3A_238 = arith.addf %add3A_231, %abs3A_237 : vector<256x1024xf32>
    %slice3A_239 = vector.extract_strided_slice %mul3A_23 {offsets = [0, 27], sizes = [256, 1], strides = [1, 1]} : vector<256x64xf32> to vector<256x1xf32>
    %slice3A_240 = vector.extract_strided_slice %mul3A_51 {offsets = [27, 0], sizes = [1, 1024], strides = [1, 1]} : vector<64x1024xf32> to vector<1x1024xf32>
    %sub3A_241 = vector.broadcast %slice3A_239 : vector<256x1xf32> to vector<256x1024xf32>
    %sub3A_242 = vector.broadcast %slice3A_240 : vector<1x1024xf32> to vector<256x1024xf32>
    %sub3A_243 = arith.subf %sub3A_241, %sub3A_242 : vector<256x1024xf32>
    %abs3A_244 = math.absf %sub3A_243 : vector<256x1024xf32>
    %add3A_245 = arith.addf %add3A_238, %abs3A_244 : vector<256x1024xf32>
    %slice3A_246 = vector.extract_strided_slice %mul3A_23 {offsets = [0, 28], sizes = [256, 1], strides = [1, 1]} : vector<256x64xf32> to vector<256x1xf32>
    %slice3A_247 = vector.extract_strided_slice %mul3A_51 {offsets = [28, 0], sizes = [1, 1024], strides = [1, 1]} : vector<64x1024xf32> to vector<1x1024xf32>
    %sub3A_248 = vector.broadcast %slice3A_246 : vector<256x1xf32> to vector<256x1024xf32>
    %sub3A_249 = vector.broadcast %slice3A_247 : vector<1x1024xf32> to vector<256x1024xf32>
    %sub3A_250 = arith.subf %sub3A_248, %sub3A_249 : vector<256x1024xf32>
    %abs3A_251 = math.absf %sub3A_250 : vector<256x1024xf32>
    %add3A_252 = arith.addf %add3A_245, %abs3A_251 : vector<256x1024xf32>
    %slice3A_253 = vector.extract_strided_slice %mul3A_23 {offsets = [0, 29], sizes = [256, 1], strides = [1, 1]} : vector<256x64xf32> to vector<256x1xf32>
    %slice3A_254 = vector.extract_strided_slice %mul3A_51 {offsets = [29, 0], sizes = [1, 1024], strides = [1, 1]} : vector<64x1024xf32> to vector<1x1024xf32>
    %sub3A_255 = vector.broadcast %slice3A_253 : vector<256x1xf32> to vector<256x1024xf32>
    %sub3A_256 = vector.broadcast %slice3A_254 : vector<1x1024xf32> to vector<256x1024xf32>
    %sub3A_257 = arith.subf %sub3A_255, %sub3A_256 : vector<256x1024xf32>
    %abs3A_258 = math.absf %sub3A_257 : vector<256x1024xf32>
    %add3A_259 = arith.addf %add3A_252, %abs3A_258 : vector<256x1024xf32>
    %slice3A_260 = vector.extract_strided_slice %mul3A_23 {offsets = [0, 30], sizes = [256, 1], strides = [1, 1]} : vector<256x64xf32> to vector<256x1xf32>
    %slice3A_261 = vector.extract_strided_slice %mul3A_51 {offsets = [30, 0], sizes = [1, 1024], strides = [1, 1]} : vector<64x1024xf32> to vector<1x1024xf32>
    %sub3A_262 = vector.broadcast %slice3A_260 : vector<256x1xf32> to vector<256x1024xf32>
    %sub3A_263 = vector.broadcast %slice3A_261 : vector<1x1024xf32> to vector<256x1024xf32>
    %sub3A_264 = arith.subf %sub3A_262, %sub3A_263 : vector<256x1024xf32>
    %abs3A_265 = math.absf %sub3A_264 : vector<256x1024xf32>
    %add3A_266 = arith.addf %add3A_259, %abs3A_265 : vector<256x1024xf32>
    %slice3A_267 = vector.extract_strided_slice %mul3A_23 {offsets = [0, 31], sizes = [256, 1], strides = [1, 1]} : vector<256x64xf32> to vector<256x1xf32>
    %slice3A_268 = vector.extract_strided_slice %mul3A_51 {offsets = [31, 0], sizes = [1, 1024], strides = [1, 1]} : vector<64x1024xf32> to vector<1x1024xf32>
    %sub3A_269 = vector.broadcast %slice3A_267 : vector<256x1xf32> to vector<256x1024xf32>
    %sub3A_270 = vector.broadcast %slice3A_268 : vector<1x1024xf32> to vector<256x1024xf32>
    %sub3A_271 = arith.subf %sub3A_269, %sub3A_270 : vector<256x1024xf32>
    %abs3A_272 = math.absf %sub3A_271 : vector<256x1024xf32>
    %add3A_273 = arith.addf %add3A_266, %abs3A_272 : vector<256x1024xf32>
    %slice3A_274 = vector.extract_strided_slice %mul3A_23 {offsets = [0, 32], sizes = [256, 1], strides = [1, 1]} : vector<256x64xf32> to vector<256x1xf32>
    %slice3A_275 = vector.extract_strided_slice %mul3A_51 {offsets = [32, 0], sizes = [1, 1024], strides = [1, 1]} : vector<64x1024xf32> to vector<1x1024xf32>
    %sub3A_276 = vector.broadcast %slice3A_274 : vector<256x1xf32> to vector<256x1024xf32>
    %sub3A_277 = vector.broadcast %slice3A_275 : vector<1x1024xf32> to vector<256x1024xf32>
    %sub3A_278 = arith.subf %sub3A_276, %sub3A_277 : vector<256x1024xf32>
    %abs3A_279 = math.absf %sub3A_278 : vector<256x1024xf32>
    %add3A_280 = arith.addf %add3A_273, %abs3A_279 : vector<256x1024xf32>
    %slice3A_281 = vector.extract_strided_slice %mul3A_23 {offsets = [0, 33], sizes = [256, 1], strides = [1, 1]} : vector<256x64xf32> to vector<256x1xf32>
    %slice3A_282 = vector.extract_strided_slice %mul3A_51 {offsets = [33, 0], sizes = [1, 1024], strides = [1, 1]} : vector<64x1024xf32> to vector<1x1024xf32>
    %sub3A_283 = vector.broadcast %slice3A_281 : vector<256x1xf32> to vector<256x1024xf32>
    %sub3A_284 = vector.broadcast %slice3A_282 : vector<1x1024xf32> to vector<256x1024xf32>
    %sub3A_285 = arith.subf %sub3A_283, %sub3A_284 : vector<256x1024xf32>
    %abs3A_286 = math.absf %sub3A_285 : vector<256x1024xf32>
    %add3A_287 = arith.addf %add3A_280, %abs3A_286 : vector<256x1024xf32>
    %slice3A_288 = vector.extract_strided_slice %mul3A_23 {offsets = [0, 34], sizes = [256, 1], strides = [1, 1]} : vector<256x64xf32> to vector<256x1xf32>
    %slice3A_289 = vector.extract_strided_slice %mul3A_51 {offsets = [34, 0], sizes = [1, 1024], strides = [1, 1]} : vector<64x1024xf32> to vector<1x1024xf32>
    %sub3A_290 = vector.broadcast %slice3A_288 : vector<256x1xf32> to vector<256x1024xf32>
    %sub3A_291 = vector.broadcast %slice3A_289 : vector<1x1024xf32> to vector<256x1024xf32>
    %sub3A_292 = arith.subf %sub3A_290, %sub3A_291 : vector<256x1024xf32>
    %abs3A_293 = math.absf %sub3A_292 : vector<256x1024xf32>
    %add3A_294 = arith.addf %add3A_287, %abs3A_293 : vector<256x1024xf32>
    %slice3A_295 = vector.extract_strided_slice %mul3A_23 {offsets = [0, 35], sizes = [256, 1], strides = [1, 1]} : vector<256x64xf32> to vector<256x1xf32>
    %slice3A_296 = vector.extract_strided_slice %mul3A_51 {offsets = [35, 0], sizes = [1, 1024], strides = [1, 1]} : vector<64x1024xf32> to vector<1x1024xf32>
    %sub3A_297 = vector.broadcast %slice3A_295 : vector<256x1xf32> to vector<256x1024xf32>
    %sub3A_298 = vector.broadcast %slice3A_296 : vector<1x1024xf32> to vector<256x1024xf32>
    %sub3A_299 = arith.subf %sub3A_297, %sub3A_298 : vector<256x1024xf32>
    %abs3A_300 = math.absf %sub3A_299 : vector<256x1024xf32>
    %add3A_301 = arith.addf %add3A_294, %abs3A_300 : vector<256x1024xf32>
    %slice3A_302 = vector.extract_strided_slice %mul3A_23 {offsets = [0, 36], sizes = [256, 1], strides = [1, 1]} : vector<256x64xf32> to vector<256x1xf32>
    %slice3A_303 = vector.extract_strided_slice %mul3A_51 {offsets = [36, 0], sizes = [1, 1024], strides = [1, 1]} : vector<64x1024xf32> to vector<1x1024xf32>
    %sub3A_304 = vector.broadcast %slice3A_302 : vector<256x1xf32> to vector<256x1024xf32>
    %sub3A_305 = vector.broadcast %slice3A_303 : vector<1x1024xf32> to vector<256x1024xf32>
    %sub3A_306 = arith.subf %sub3A_304, %sub3A_305 : vector<256x1024xf32>
    %abs3A_307 = math.absf %sub3A_306 : vector<256x1024xf32>
    %add3A_308 = arith.addf %add3A_301, %abs3A_307 : vector<256x1024xf32>
    %slice3A_309 = vector.extract_strided_slice %mul3A_23 {offsets = [0, 37], sizes = [256, 1], strides = [1, 1]} : vector<256x64xf32> to vector<256x1xf32>
    %slice3A_310 = vector.extract_strided_slice %mul3A_51 {offsets = [37, 0], sizes = [1, 1024], strides = [1, 1]} : vector<64x1024xf32> to vector<1x1024xf32>
    %sub3A_311 = vector.broadcast %slice3A_309 : vector<256x1xf32> to vector<256x1024xf32>
    %sub3A_312 = vector.broadcast %slice3A_310 : vector<1x1024xf32> to vector<256x1024xf32>
    %sub3A_313 = arith.subf %sub3A_311, %sub3A_312 : vector<256x1024xf32>
    %abs3A_314 = math.absf %sub3A_313 : vector<256x1024xf32>
    %add3A_315 = arith.addf %add3A_308, %abs3A_314 : vector<256x1024xf32>
    %slice3A_316 = vector.extract_strided_slice %mul3A_23 {offsets = [0, 38], sizes = [256, 1], strides = [1, 1]} : vector<256x64xf32> to vector<256x1xf32>
    %slice3A_317 = vector.extract_strided_slice %mul3A_51 {offsets = [38, 0], sizes = [1, 1024], strides = [1, 1]} : vector<64x1024xf32> to vector<1x1024xf32>
    %sub3A_318 = vector.broadcast %slice3A_316 : vector<256x1xf32> to vector<256x1024xf32>
    %sub3A_319 = vector.broadcast %slice3A_317 : vector<1x1024xf32> to vector<256x1024xf32>
    %sub3A_320 = arith.subf %sub3A_318, %sub3A_319 : vector<256x1024xf32>
    %abs3A_321 = math.absf %sub3A_320 : vector<256x1024xf32>
    %add3A_322 = arith.addf %add3A_315, %abs3A_321 : vector<256x1024xf32>
    %slice3A_323 = vector.extract_strided_slice %mul3A_23 {offsets = [0, 39], sizes = [256, 1], strides = [1, 1]} : vector<256x64xf32> to vector<256x1xf32>
    %slice3A_324 = vector.extract_strided_slice %mul3A_51 {offsets = [39, 0], sizes = [1, 1024], strides = [1, 1]} : vector<64x1024xf32> to vector<1x1024xf32>
    %sub3A_325 = vector.broadcast %slice3A_323 : vector<256x1xf32> to vector<256x1024xf32>
    %sub3A_326 = vector.broadcast %slice3A_324 : vector<1x1024xf32> to vector<256x1024xf32>
    %sub3A_327 = arith.subf %sub3A_325, %sub3A_326 : vector<256x1024xf32>
    %abs3A_328 = math.absf %sub3A_327 : vector<256x1024xf32>
    %add3A_329 = arith.addf %add3A_322, %abs3A_328 : vector<256x1024xf32>
    %slice3A_330 = vector.extract_strided_slice %mul3A_23 {offsets = [0, 40], sizes = [256, 1], strides = [1, 1]} : vector<256x64xf32> to vector<256x1xf32>
    %slice3A_331 = vector.extract_strided_slice %mul3A_51 {offsets = [40, 0], sizes = [1, 1024], strides = [1, 1]} : vector<64x1024xf32> to vector<1x1024xf32>
    %sub3A_332 = vector.broadcast %slice3A_330 : vector<256x1xf32> to vector<256x1024xf32>
    %sub3A_333 = vector.broadcast %slice3A_331 : vector<1x1024xf32> to vector<256x1024xf32>
    %sub3A_334 = arith.subf %sub3A_332, %sub3A_333 : vector<256x1024xf32>
    %abs3A_335 = math.absf %sub3A_334 : vector<256x1024xf32>
    %add3A_336 = arith.addf %add3A_329, %abs3A_335 : vector<256x1024xf32>
    %slice3A_337 = vector.extract_strided_slice %mul3A_23 {offsets = [0, 41], sizes = [256, 1], strides = [1, 1]} : vector<256x64xf32> to vector<256x1xf32>
    %slice3A_338 = vector.extract_strided_slice %mul3A_51 {offsets = [41, 0], sizes = [1, 1024], strides = [1, 1]} : vector<64x1024xf32> to vector<1x1024xf32>
    %sub3A_339 = vector.broadcast %slice3A_337 : vector<256x1xf32> to vector<256x1024xf32>
    %sub3A_340 = vector.broadcast %slice3A_338 : vector<1x1024xf32> to vector<256x1024xf32>
    %sub3A_341 = arith.subf %sub3A_339, %sub3A_340 : vector<256x1024xf32>
    %abs3A_342 = math.absf %sub3A_341 : vector<256x1024xf32>
    %add3A_343 = arith.addf %add3A_336, %abs3A_342 : vector<256x1024xf32>
    %slice3A_344 = vector.extract_strided_slice %mul3A_23 {offsets = [0, 42], sizes = [256, 1], strides = [1, 1]} : vector<256x64xf32> to vector<256x1xf32>
    %slice3A_345 = vector.extract_strided_slice %mul3A_51 {offsets = [42, 0], sizes = [1, 1024], strides = [1, 1]} : vector<64x1024xf32> to vector<1x1024xf32>
    %sub3A_346 = vector.broadcast %slice3A_344 : vector<256x1xf32> to vector<256x1024xf32>
    %sub3A_347 = vector.broadcast %slice3A_345 : vector<1x1024xf32> to vector<256x1024xf32>
    %sub3A_348 = arith.subf %sub3A_346, %sub3A_347 : vector<256x1024xf32>
    %abs3A_349 = math.absf %sub3A_348 : vector<256x1024xf32>
    %add3A_350 = arith.addf %add3A_343, %abs3A_349 : vector<256x1024xf32>
    %slice3A_351 = vector.extract_strided_slice %mul3A_23 {offsets = [0, 43], sizes = [256, 1], strides = [1, 1]} : vector<256x64xf32> to vector<256x1xf32>
    %slice3A_352 = vector.extract_strided_slice %mul3A_51 {offsets = [43, 0], sizes = [1, 1024], strides = [1, 1]} : vector<64x1024xf32> to vector<1x1024xf32>
    %sub3A_353 = vector.broadcast %slice3A_351 : vector<256x1xf32> to vector<256x1024xf32>
    %sub3A_354 = vector.broadcast %slice3A_352 : vector<1x1024xf32> to vector<256x1024xf32>
    %sub3A_355 = arith.subf %sub3A_353, %sub3A_354 : vector<256x1024xf32>
    %abs3A_356 = math.absf %sub3A_355 : vector<256x1024xf32>
    %add3A_357 = arith.addf %add3A_350, %abs3A_356 : vector<256x1024xf32>
    %slice3A_358 = vector.extract_strided_slice %mul3A_23 {offsets = [0, 44], sizes = [256, 1], strides = [1, 1]} : vector<256x64xf32> to vector<256x1xf32>
    %slice3A_359 = vector.extract_strided_slice %mul3A_51 {offsets = [44, 0], sizes = [1, 1024], strides = [1, 1]} : vector<64x1024xf32> to vector<1x1024xf32>
    %sub3A_360 = vector.broadcast %slice3A_358 : vector<256x1xf32> to vector<256x1024xf32>
    %sub3A_361 = vector.broadcast %slice3A_359 : vector<1x1024xf32> to vector<256x1024xf32>
    %sub3A_362 = arith.subf %sub3A_360, %sub3A_361 : vector<256x1024xf32>
    %abs3A_363 = math.absf %sub3A_362 : vector<256x1024xf32>
    %add3A_364 = arith.addf %add3A_357, %abs3A_363 : vector<256x1024xf32>
    %slice3A_365 = vector.extract_strided_slice %mul3A_23 {offsets = [0, 45], sizes = [256, 1], strides = [1, 1]} : vector<256x64xf32> to vector<256x1xf32>
    %slice3A_366 = vector.extract_strided_slice %mul3A_51 {offsets = [45, 0], sizes = [1, 1024], strides = [1, 1]} : vector<64x1024xf32> to vector<1x1024xf32>
    %sub3A_367 = vector.broadcast %slice3A_365 : vector<256x1xf32> to vector<256x1024xf32>
    %sub3A_368 = vector.broadcast %slice3A_366 : vector<1x1024xf32> to vector<256x1024xf32>
    %sub3A_369 = arith.subf %sub3A_367, %sub3A_368 : vector<256x1024xf32>
    %abs3A_370 = math.absf %sub3A_369 : vector<256x1024xf32>
    %add3A_371 = arith.addf %add3A_364, %abs3A_370 : vector<256x1024xf32>
    %slice3A_372 = vector.extract_strided_slice %mul3A_23 {offsets = [0, 46], sizes = [256, 1], strides = [1, 1]} : vector<256x64xf32> to vector<256x1xf32>
    %slice3A_373 = vector.extract_strided_slice %mul3A_51 {offsets = [46, 0], sizes = [1, 1024], strides = [1, 1]} : vector<64x1024xf32> to vector<1x1024xf32>
    %sub3A_374 = vector.broadcast %slice3A_372 : vector<256x1xf32> to vector<256x1024xf32>
    %sub3A_375 = vector.broadcast %slice3A_373 : vector<1x1024xf32> to vector<256x1024xf32>
    %sub3A_376 = arith.subf %sub3A_374, %sub3A_375 : vector<256x1024xf32>
    %abs3A_377 = math.absf %sub3A_376 : vector<256x1024xf32>
    %add3A_378 = arith.addf %add3A_371, %abs3A_377 : vector<256x1024xf32>
    %slice3A_379 = vector.extract_strided_slice %mul3A_23 {offsets = [0, 47], sizes = [256, 1], strides = [1, 1]} : vector<256x64xf32> to vector<256x1xf32>
    %slice3A_380 = vector.extract_strided_slice %mul3A_51 {offsets = [47, 0], sizes = [1, 1024], strides = [1, 1]} : vector<64x1024xf32> to vector<1x1024xf32>
    %sub3A_381 = vector.broadcast %slice3A_379 : vector<256x1xf32> to vector<256x1024xf32>
    %sub3A_382 = vector.broadcast %slice3A_380 : vector<1x1024xf32> to vector<256x1024xf32>
    %sub3A_383 = arith.subf %sub3A_381, %sub3A_382 : vector<256x1024xf32>
    %abs3A_384 = math.absf %sub3A_383 : vector<256x1024xf32>
    %add3A_385 = arith.addf %add3A_378, %abs3A_384 : vector<256x1024xf32>
    %slice3A_386 = vector.extract_strided_slice %mul3A_23 {offsets = [0, 48], sizes = [256, 1], strides = [1, 1]} : vector<256x64xf32> to vector<256x1xf32>
    %slice3A_387 = vector.extract_strided_slice %mul3A_51 {offsets = [48, 0], sizes = [1, 1024], strides = [1, 1]} : vector<64x1024xf32> to vector<1x1024xf32>
    %sub3A_388 = vector.broadcast %slice3A_386 : vector<256x1xf32> to vector<256x1024xf32>
    %sub3A_389 = vector.broadcast %slice3A_387 : vector<1x1024xf32> to vector<256x1024xf32>
    %sub3A_390 = arith.subf %sub3A_388, %sub3A_389 : vector<256x1024xf32>
    %abs3A_391 = math.absf %sub3A_390 : vector<256x1024xf32>
    %add3A_392 = arith.addf %add3A_385, %abs3A_391 : vector<256x1024xf32>
    %slice3A_393 = vector.extract_strided_slice %mul3A_23 {offsets = [0, 49], sizes = [256, 1], strides = [1, 1]} : vector<256x64xf32> to vector<256x1xf32>
    %slice3A_394 = vector.extract_strided_slice %mul3A_51 {offsets = [49, 0], sizes = [1, 1024], strides = [1, 1]} : vector<64x1024xf32> to vector<1x1024xf32>
    %sub3A_395 = vector.broadcast %slice3A_393 : vector<256x1xf32> to vector<256x1024xf32>
    %sub3A_396 = vector.broadcast %slice3A_394 : vector<1x1024xf32> to vector<256x1024xf32>
    %sub3A_397 = arith.subf %sub3A_395, %sub3A_396 : vector<256x1024xf32>
    %abs3A_398 = math.absf %sub3A_397 : vector<256x1024xf32>
    %add3A_399 = arith.addf %add3A_392, %abs3A_398 : vector<256x1024xf32>
    %slice3A_400 = vector.extract_strided_slice %mul3A_23 {offsets = [0, 50], sizes = [256, 1], strides = [1, 1]} : vector<256x64xf32> to vector<256x1xf32>
    %slice3A_401 = vector.extract_strided_slice %mul3A_51 {offsets = [50, 0], sizes = [1, 1024], strides = [1, 1]} : vector<64x1024xf32> to vector<1x1024xf32>
    %sub3A_402 = vector.broadcast %slice3A_400 : vector<256x1xf32> to vector<256x1024xf32>
    %sub3A_403 = vector.broadcast %slice3A_401 : vector<1x1024xf32> to vector<256x1024xf32>
    %sub3A_404 = arith.subf %sub3A_402, %sub3A_403 : vector<256x1024xf32>
    %abs3A_405 = math.absf %sub3A_404 : vector<256x1024xf32>
    %add3A_406 = arith.addf %add3A_399, %abs3A_405 : vector<256x1024xf32>
    %slice3A_407 = vector.extract_strided_slice %mul3A_23 {offsets = [0, 51], sizes = [256, 1], strides = [1, 1]} : vector<256x64xf32> to vector<256x1xf32>
    %slice3A_408 = vector.extract_strided_slice %mul3A_51 {offsets = [51, 0], sizes = [1, 1024], strides = [1, 1]} : vector<64x1024xf32> to vector<1x1024xf32>
    %sub3A_409 = vector.broadcast %slice3A_407 : vector<256x1xf32> to vector<256x1024xf32>
    %sub3A_410 = vector.broadcast %slice3A_408 : vector<1x1024xf32> to vector<256x1024xf32>
    %sub3A_411 = arith.subf %sub3A_409, %sub3A_410 : vector<256x1024xf32>
    %abs3A_412 = math.absf %sub3A_411 : vector<256x1024xf32>
    %add3A_413 = arith.addf %add3A_406, %abs3A_412 : vector<256x1024xf32>
    %slice3A_414 = vector.extract_strided_slice %mul3A_23 {offsets = [0, 52], sizes = [256, 1], strides = [1, 1]} : vector<256x64xf32> to vector<256x1xf32>
    %slice3A_415 = vector.extract_strided_slice %mul3A_51 {offsets = [52, 0], sizes = [1, 1024], strides = [1, 1]} : vector<64x1024xf32> to vector<1x1024xf32>
    %sub3A_416 = vector.broadcast %slice3A_414 : vector<256x1xf32> to vector<256x1024xf32>
    %sub3A_417 = vector.broadcast %slice3A_415 : vector<1x1024xf32> to vector<256x1024xf32>
    %sub3A_418 = arith.subf %sub3A_416, %sub3A_417 : vector<256x1024xf32>
    %abs3A_419 = math.absf %sub3A_418 : vector<256x1024xf32>
    %add3A_420 = arith.addf %add3A_413, %abs3A_419 : vector<256x1024xf32>
    %slice3A_421 = vector.extract_strided_slice %mul3A_23 {offsets = [0, 53], sizes = [256, 1], strides = [1, 1]} : vector<256x64xf32> to vector<256x1xf32>
    %slice3A_422 = vector.extract_strided_slice %mul3A_51 {offsets = [53, 0], sizes = [1, 1024], strides = [1, 1]} : vector<64x1024xf32> to vector<1x1024xf32>
    %sub3A_423 = vector.broadcast %slice3A_421 : vector<256x1xf32> to vector<256x1024xf32>
    %sub3A_424 = vector.broadcast %slice3A_422 : vector<1x1024xf32> to vector<256x1024xf32>
    %sub3A_425 = arith.subf %sub3A_423, %sub3A_424 : vector<256x1024xf32>
    %abs3A_426 = math.absf %sub3A_425 : vector<256x1024xf32>
    %add3A_427 = arith.addf %add3A_420, %abs3A_426 : vector<256x1024xf32>
    %slice3A_428 = vector.extract_strided_slice %mul3A_23 {offsets = [0, 54], sizes = [256, 1], strides = [1, 1]} : vector<256x64xf32> to vector<256x1xf32>
    %slice3A_429 = vector.extract_strided_slice %mul3A_51 {offsets = [54, 0], sizes = [1, 1024], strides = [1, 1]} : vector<64x1024xf32> to vector<1x1024xf32>
    %sub3A_430 = vector.broadcast %slice3A_428 : vector<256x1xf32> to vector<256x1024xf32>
    %sub3A_431 = vector.broadcast %slice3A_429 : vector<1x1024xf32> to vector<256x1024xf32>
    %sub3A_432 = arith.subf %sub3A_430, %sub3A_431 : vector<256x1024xf32>
    %abs3A_433 = math.absf %sub3A_432 : vector<256x1024xf32>
    %add3A_434 = arith.addf %add3A_427, %abs3A_433 : vector<256x1024xf32>
    %slice3A_435 = vector.extract_strided_slice %mul3A_23 {offsets = [0, 55], sizes = [256, 1], strides = [1, 1]} : vector<256x64xf32> to vector<256x1xf32>
    %slice3A_436 = vector.extract_strided_slice %mul3A_51 {offsets = [55, 0], sizes = [1, 1024], strides = [1, 1]} : vector<64x1024xf32> to vector<1x1024xf32>
    %sub3A_437 = vector.broadcast %slice3A_435 : vector<256x1xf32> to vector<256x1024xf32>
    %sub3A_438 = vector.broadcast %slice3A_436 : vector<1x1024xf32> to vector<256x1024xf32>
    %sub3A_439 = arith.subf %sub3A_437, %sub3A_438 : vector<256x1024xf32>
    %abs3A_440 = math.absf %sub3A_439 : vector<256x1024xf32>
    %add3A_441 = arith.addf %add3A_434, %abs3A_440 : vector<256x1024xf32>
    %slice3A_442 = vector.extract_strided_slice %mul3A_23 {offsets = [0, 56], sizes = [256, 1], strides = [1, 1]} : vector<256x64xf32> to vector<256x1xf32>
    %slice3A_443 = vector.extract_strided_slice %mul3A_51 {offsets = [56, 0], sizes = [1, 1024], strides = [1, 1]} : vector<64x1024xf32> to vector<1x1024xf32>
    %sub3A_444 = vector.broadcast %slice3A_442 : vector<256x1xf32> to vector<256x1024xf32>
    %sub3A_445 = vector.broadcast %slice3A_443 : vector<1x1024xf32> to vector<256x1024xf32>
    %sub3A_446 = arith.subf %sub3A_444, %sub3A_445 : vector<256x1024xf32>
    %abs3A_447 = math.absf %sub3A_446 : vector<256x1024xf32>
    %add3A_448 = arith.addf %add3A_441, %abs3A_447 : vector<256x1024xf32>
    %slice3A_449 = vector.extract_strided_slice %mul3A_23 {offsets = [0, 57], sizes = [256, 1], strides = [1, 1]} : vector<256x64xf32> to vector<256x1xf32>
    %slice3A_450 = vector.extract_strided_slice %mul3A_51 {offsets = [57, 0], sizes = [1, 1024], strides = [1, 1]} : vector<64x1024xf32> to vector<1x1024xf32>
    %sub3A_451 = vector.broadcast %slice3A_449 : vector<256x1xf32> to vector<256x1024xf32>
    %sub3A_452 = vector.broadcast %slice3A_450 : vector<1x1024xf32> to vector<256x1024xf32>
    %sub3A_453 = arith.subf %sub3A_451, %sub3A_452 : vector<256x1024xf32>
    %abs3A_454 = math.absf %sub3A_453 : vector<256x1024xf32>
    %add3A_455 = arith.addf %add3A_448, %abs3A_454 : vector<256x1024xf32>
    %slice3A_456 = vector.extract_strided_slice %mul3A_23 {offsets = [0, 58], sizes = [256, 1], strides = [1, 1]} : vector<256x64xf32> to vector<256x1xf32>
    %slice3A_457 = vector.extract_strided_slice %mul3A_51 {offsets = [58, 0], sizes = [1, 1024], strides = [1, 1]} : vector<64x1024xf32> to vector<1x1024xf32>
    %sub3A_458 = vector.broadcast %slice3A_456 : vector<256x1xf32> to vector<256x1024xf32>
    %sub3A_459 = vector.broadcast %slice3A_457 : vector<1x1024xf32> to vector<256x1024xf32>
    %sub3A_460 = arith.subf %sub3A_458, %sub3A_459 : vector<256x1024xf32>
    %abs3A_461 = math.absf %sub3A_460 : vector<256x1024xf32>
    %add3A_462 = arith.addf %add3A_455, %abs3A_461 : vector<256x1024xf32>
    %slice3A_463 = vector.extract_strided_slice %mul3A_23 {offsets = [0, 59], sizes = [256, 1], strides = [1, 1]} : vector<256x64xf32> to vector<256x1xf32>
    %slice3A_464 = vector.extract_strided_slice %mul3A_51 {offsets = [59, 0], sizes = [1, 1024], strides = [1, 1]} : vector<64x1024xf32> to vector<1x1024xf32>
    %sub3A_465 = vector.broadcast %slice3A_463 : vector<256x1xf32> to vector<256x1024xf32>
    %sub3A_466 = vector.broadcast %slice3A_464 : vector<1x1024xf32> to vector<256x1024xf32>
    %sub3A_467 = arith.subf %sub3A_465, %sub3A_466 : vector<256x1024xf32>
    %abs3A_468 = math.absf %sub3A_467 : vector<256x1024xf32>
    %add3A_469 = arith.addf %add3A_462, %abs3A_468 : vector<256x1024xf32>
    %slice3A_470 = vector.extract_strided_slice %mul3A_23 {offsets = [0, 60], sizes = [256, 1], strides = [1, 1]} : vector<256x64xf32> to vector<256x1xf32>
    %slice3A_471 = vector.extract_strided_slice %mul3A_51 {offsets = [60, 0], sizes = [1, 1024], strides = [1, 1]} : vector<64x1024xf32> to vector<1x1024xf32>
    %sub3A_472 = vector.broadcast %slice3A_470 : vector<256x1xf32> to vector<256x1024xf32>
    %sub3A_473 = vector.broadcast %slice3A_471 : vector<1x1024xf32> to vector<256x1024xf32>
    %sub3A_474 = arith.subf %sub3A_472, %sub3A_473 : vector<256x1024xf32>
    %abs3A_475 = math.absf %sub3A_474 : vector<256x1024xf32>
    %add3A_476 = arith.addf %add3A_469, %abs3A_475 : vector<256x1024xf32>
    %slice3A_477 = vector.extract_strided_slice %mul3A_23 {offsets = [0, 61], sizes = [256, 1], strides = [1, 1]} : vector<256x64xf32> to vector<256x1xf32>
    %slice3A_478 = vector.extract_strided_slice %mul3A_51 {offsets = [61, 0], sizes = [1, 1024], strides = [1, 1]} : vector<64x1024xf32> to vector<1x1024xf32>
    %sub3A_479 = vector.broadcast %slice3A_477 : vector<256x1xf32> to vector<256x1024xf32>
    %sub3A_480 = vector.broadcast %slice3A_478 : vector<1x1024xf32> to vector<256x1024xf32>
    %sub3A_481 = arith.subf %sub3A_479, %sub3A_480 : vector<256x1024xf32>
    %abs3A_482 = math.absf %sub3A_481 : vector<256x1024xf32>
    %add3A_483 = arith.addf %add3A_476, %abs3A_482 : vector<256x1024xf32>
    %slice3A_484 = vector.extract_strided_slice %mul3A_23 {offsets = [0, 62], sizes = [256, 1], strides = [1, 1]} : vector<256x64xf32> to vector<256x1xf32>
    %slice3A_485 = vector.extract_strided_slice %mul3A_51 {offsets = [62, 0], sizes = [1, 1024], strides = [1, 1]} : vector<64x1024xf32> to vector<1x1024xf32>
    %sub3A_486 = vector.broadcast %slice3A_484 : vector<256x1xf32> to vector<256x1024xf32>
    %sub3A_487 = vector.broadcast %slice3A_485 : vector<1x1024xf32> to vector<256x1024xf32>
    %sub3A_488 = arith.subf %sub3A_486, %sub3A_487 : vector<256x1024xf32>
    %abs3A_489 = math.absf %sub3A_488 : vector<256x1024xf32>
    %add3A_490 = arith.addf %add3A_483, %abs3A_489 : vector<256x1024xf32>
    %slice3A_491 = vector.extract_strided_slice %mul3A_23 {offsets = [0, 63], sizes = [256, 1], strides = [1, 1]} : vector<256x64xf32> to vector<256x1xf32>
    %slice3A_492 = vector.extract_strided_slice %mul3A_51 {offsets = [63, 0], sizes = [1, 1024], strides = [1, 1]} : vector<64x1024xf32> to vector<1x1024xf32>
    %sub3A_493 = vector.broadcast %slice3A_491 : vector<256x1xf32> to vector<256x1024xf32>
    %sub3A_494 = vector.broadcast %slice3A_492 : vector<1x1024xf32> to vector<256x1024xf32>
    %sub3A_495 = arith.subf %sub3A_493, %sub3A_494 : vector<256x1024xf32>
    %abs3A_496 = math.absf %sub3A_495 : vector<256x1024xf32>
    %add3A_497 = arith.addf %add3A_490, %abs3A_496 : vector<256x1024xf32>
    %iota3A = tpu.iota {dimensions = array<i32: 1>} : vector<256x1024xi32>
    %iota3A_498 = tpu.iota {dimensions = array<i32: 0>} : vector<256x1024xi32>
    %mul3A_499 = arith.constant 256 : i32
    %mul3A_500 = arith.muli %arg0, %mul3A_499 : i32
    %add3A_501 = vector.broadcast %mul3A_500 : i32 to vector<256x1024xi32>
    %add3A_502 = arith.addi %iota3A_498, %add3A_501 : vector<256x1024xi32>
    %eq3A = arith.cmpi eq, %iota3A, %add3A_502 : vector<256x1024xi32>
    %convert_element_type3A_503 = arith.extui %eq3A : vector<256x1024xi1> to vector<256x1024xi32>
    %convert_element_type3A_504 = arith.sitofp %convert_element_type3A_503 : vector<256x1024xi32> to vector<256x1024xf32>
    %reduce_max3A = arith.constant dense<0xFF800000> : vector<256xf32>
    %reduce_max3A_505 = vector.multi_reduction <maximumf>, %add3A_497, %reduce_max3A [1] : vector<256x1024xf32> to vector<256xf32>
    %broadcast_in_dim3A_506 = vector.shape_cast %reduce_max3A_505 : vector<256xf32> to vector<256x1xf32>
    %eq3A_507 = vector.broadcast %broadcast_in_dim3A_506 : vector<256x1xf32> to vector<256x1024xf32>
    %eq3A_508 = arith.cmpf oeq, %add3A_497, %eq3A_507 : vector<256x1024xf32>
    %jit3A = arith.constant 1024 : i32
    %broadcast_in_dim3A_509 = vector.broadcast %jit3A : i32 to vector<256x1024xi32>
    %select_n3A = arith.select %eq3A_508, %iota3A, %broadcast_in_dim3A_509 : vector<256x1024xi1>, vector<256x1024xi32>
    %reduce_min3A = arith.constant dense<2147483647> : vector<256xi32>
    %reduce_min3A_510 = vector.multi_reduction <minsi>, %select_n3A, %reduce_min3A [1] : vector<256x1024xi32> to vector<256xi32>
    %broadcast_in_dim3A_511 = vector.shape_cast %reduce_min3A_510 : vector<256xi32> to vector<256x1xi32>
    %eq3A_512 = vector.broadcast %broadcast_in_dim3A_511 : vector<256x1xi32> to vector<256x1024xi32>
    %eq3A_513 = arith.cmpi eq, %iota3A, %eq3A_512 : vector<256x1024xi32>
    %convert_element_type3A_514 = arith.extui %eq3A_513 : vector<256x1024xi1> to vector<256x1024xi32>
    %convert_element_type3A_515 = arith.sitofp %convert_element_type3A_514 : vector<256x1024xi32> to vector<256x1024xf32>
    %add3A_516 = arith.addf %convert_element_type3A_504, %convert_element_type3A_515 : vector<256x1024xf32>
    %jit3A_517 = arith.constant 0xFF800000 : f32
    %broadcast_in_dim3A_518 = vector.broadcast %jit3A_517 : f32 to vector<256x1024xf32>
    %select_n3A_519 = arith.select %eq3A_513, %broadcast_in_dim3A_518, %add3A_497 : vector<256x1024xi1>, vector<256x1024xf32>
    %reduce_max3A_520 = arith.constant dense<0xFF800000> : vector<256xf32>
    %reduce_max3A_521 = vector.multi_reduction <maximumf>, %select_n3A_519, %reduce_max3A_520 [1] : vector<256x1024xf32> to vector<256xf32>
    %broadcast_in_dim3A_522 = vector.shape_cast %reduce_max3A_521 : vector<256xf32> to vector<256x1xf32>
    %eq3A_523 = vector.broadcast %broadcast_in_dim3A_522 : vector<256x1xf32> to vector<256x1024xf32>
    %eq3A_524 = arith.cmpf oeq, %select_n3A_519, %eq3A_523 : vector<256x1024xf32>
    %jit3A_525 = arith.constant 1024 : i32
    %broadcast_in_dim3A_526 = vector.broadcast %jit3A_525 : i32 to vector<256x1024xi32>
    %select_n3A_527 = arith.select %eq3A_524, %iota3A, %broadcast_in_dim3A_526 : vector<256x1024xi1>, vector<256x1024xi32>
    %reduce_min3A_528 = arith.constant dense<2147483647> : vector<256xi32>
    %reduce_min3A_529 = vector.multi_reduction <minsi>, %select_n3A_527, %reduce_min3A_528 [1] : vector<256x1024xi32> to vector<256xi32>
    %broadcast_in_dim3A_530 = vector.shape_cast %reduce_min3A_529 : vector<256xi32> to vector<256x1xi32>
    %eq3A_531 = vector.broadcast %broadcast_in_dim3A_530 : vector<256x1xi32> to vector<256x1024xi32>
    %eq3A_532 = arith.cmpi eq, %iota3A, %eq3A_531 : vector<256x1024xi32>
    %convert_element_type3A_533 = arith.extui %eq3A_532 : vector<256x1024xi1> to vector<256x1024xi32>
    %convert_element_type3A_534 = arith.sitofp %convert_element_type3A_533 : vector<256x1024xi32> to vector<256x1024xf32>
    %add3A_535 = arith.addf %add3A_516, %convert_element_type3A_534 : vector<256x1024xf32>
    %jit3A_536 = arith.constant 0xFF800000 : f32
    %broadcast_in_dim3A_537 = vector.broadcast %jit3A_536 : f32 to vector<256x1024xf32>
    %select_n3A_538 = arith.select %eq3A_532, %broadcast_in_dim3A_537, %select_n3A_519 : vector<256x1024xi1>, vector<256x1024xf32>
    %reduce_max3A_539 = arith.constant dense<0xFF800000> : vector<256xf32>
    %reduce_max3A_540 = vector.multi_reduction <maximumf>, %select_n3A_538, %reduce_max3A_539 [1] : vector<256x1024xf32> to vector<256xf32>
    %broadcast_in_dim3A_541 = vector.shape_cast %reduce_max3A_540 : vector<256xf32> to vector<256x1xf32>
    %eq3A_542 = vector.broadcast %broadcast_in_dim3A_541 : vector<256x1xf32> to vector<256x1024xf32>
    %eq3A_543 = arith.cmpf oeq, %select_n3A_538, %eq3A_542 : vector<256x1024xf32>
    %jit3A_544 = arith.constant 1024 : i32
    %broadcast_in_dim3A_545 = vector.broadcast %jit3A_544 : i32 to vector<256x1024xi32>
    %select_n3A_546 = arith.select %eq3A_543, %iota3A, %broadcast_in_dim3A_545 : vector<256x1024xi1>, vector<256x1024xi32>
    %reduce_min3A_547 = arith.constant dense<2147483647> : vector<256xi32>
    %reduce_min3A_548 = vector.multi_reduction <minsi>, %select_n3A_546, %reduce_min3A_547 [1] : vector<256x1024xi32> to vector<256xi32>
    %broadcast_in_dim3A_549 = vector.shape_cast %reduce_min3A_548 : vector<256xi32> to vector<256x1xi32>
    %eq3A_550 = vector.broadcast %broadcast_in_dim3A_549 : vector<256x1xi32> to vector<256x1024xi32>
    %eq3A_551 = arith.cmpi eq, %iota3A, %eq3A_550 : vector<256x1024xi32>
    %convert_element_type3A_552 = arith.extui %eq3A_551 : vector<256x1024xi1> to vector<256x1024xi32>
    %convert_element_type3A_553 = arith.sitofp %convert_element_type3A_552 : vector<256x1024xi32> to vector<256x1024xf32>
    %add3A_554 = arith.addf %add3A_535, %convert_element_type3A_553 : vector<256x1024xf32>
    %jit3A_555 = arith.constant 0xFF800000 : f32
    %broadcast_in_dim3A_556 = vector.broadcast %jit3A_555 : f32 to vector<256x1024xf32>
    %select_n3A_557 = arith.select %eq3A_551, %broadcast_in_dim3A_556, %select_n3A_538 : vector<256x1024xi1>, vector<256x1024xf32>
    %reduce_max3A_558 = arith.constant dense<0xFF800000> : vector<256xf32>
    %reduce_max3A_559 = vector.multi_reduction <maximumf>, %select_n3A_557, %reduce_max3A_558 [1] : vector<256x1024xf32> to vector<256xf32>
    %broadcast_in_dim3A_560 = vector.shape_cast %reduce_max3A_559 : vector<256xf32> to vector<256x1xf32>
    %eq3A_561 = vector.broadcast %broadcast_in_dim3A_560 : vector<256x1xf32> to vector<256x1024xf32>
    %eq3A_562 = arith.cmpf oeq, %select_n3A_557, %eq3A_561 : vector<256x1024xf32>
    %jit3A_563 = arith.constant 1024 : i32
    %broadcast_in_dim3A_564 = vector.broadcast %jit3A_563 : i32 to vector<256x1024xi32>
    %select_n3A_565 = arith.select %eq3A_562, %iota3A, %broadcast_in_dim3A_564 : vector<256x1024xi1>, vector<256x1024xi32>
    %reduce_min3A_566 = arith.constant dense<2147483647> : vector<256xi32>
    %reduce_min3A_567 = vector.multi_reduction <minsi>, %select_n3A_565, %reduce_min3A_566 [1] : vector<256x1024xi32> to vector<256xi32>
    %broadcast_in_dim3A_568 = vector.shape_cast %reduce_min3A_567 : vector<256xi32> to vector<256x1xi32>
    %eq3A_569 = vector.broadcast %broadcast_in_dim3A_568 : vector<256x1xi32> to vector<256x1024xi32>
    %eq3A_570 = arith.cmpi eq, %iota3A, %eq3A_569 : vector<256x1024xi32>
    %convert_element_type3A_571 = arith.extui %eq3A_570 : vector<256x1024xi1> to vector<256x1024xi32>
    %convert_element_type3A_572 = arith.sitofp %convert_element_type3A_571 : vector<256x1024xi32> to vector<256x1024xf32>
    %add3A_573 = arith.addf %add3A_554, %convert_element_type3A_572 : vector<256x1024xf32>
    %jit3A_574 = arith.constant 0xFF800000 : f32
    %broadcast_in_dim3A_575 = vector.broadcast %jit3A_574 : f32 to vector<256x1024xf32>
    %select_n3A_576 = arith.select %eq3A_570, %broadcast_in_dim3A_575, %select_n3A_557 : vector<256x1024xi1>, vector<256x1024xf32>
    %reduce_max3A_577 = arith.constant dense<0xFF800000> : vector<256xf32>
    %reduce_max3A_578 = vector.multi_reduction <maximumf>, %select_n3A_576, %reduce_max3A_577 [1] : vector<256x1024xf32> to vector<256xf32>
    %broadcast_in_dim3A_579 = vector.shape_cast %reduce_max3A_578 : vector<256xf32> to vector<256x1xf32>
    %eq3A_580 = vector.broadcast %broadcast_in_dim3A_579 : vector<256x1xf32> to vector<256x1024xf32>
    %eq3A_581 = arith.cmpf oeq, %select_n3A_576, %eq3A_580 : vector<256x1024xf32>
    %jit3A_582 = arith.constant 1024 : i32
    %broadcast_in_dim3A_583 = vector.broadcast %jit3A_582 : i32 to vector<256x1024xi32>
    %select_n3A_584 = arith.select %eq3A_581, %iota3A, %broadcast_in_dim3A_583 : vector<256x1024xi1>, vector<256x1024xi32>
    %reduce_min3A_585 = arith.constant dense<2147483647> : vector<256xi32>
    %reduce_min3A_586 = vector.multi_reduction <minsi>, %select_n3A_584, %reduce_min3A_585 [1] : vector<256x1024xi32> to vector<256xi32>
    %broadcast_in_dim3A_587 = vector.shape_cast %reduce_min3A_586 : vector<256xi32> to vector<256x1xi32>
    %eq3A_588 = vector.broadcast %broadcast_in_dim3A_587 : vector<256x1xi32> to vector<256x1024xi32>
    %eq3A_589 = arith.cmpi eq, %iota3A, %eq3A_588 : vector<256x1024xi32>
    %convert_element_type3A_590 = arith.extui %eq3A_589 : vector<256x1024xi1> to vector<256x1024xi32>
    %convert_element_type3A_591 = arith.sitofp %convert_element_type3A_590 : vector<256x1024xi32> to vector<256x1024xf32>
    %add3A_592 = arith.addf %add3A_573, %convert_element_type3A_591 : vector<256x1024xf32>
    %jit3A_593 = arith.constant 0xFF800000 : f32
    %broadcast_in_dim3A_594 = vector.broadcast %jit3A_593 : f32 to vector<256x1024xf32>
    %select_n3A_595 = arith.select %eq3A_589, %broadcast_in_dim3A_594, %select_n3A_576 : vector<256x1024xi1>, vector<256x1024xf32>
    %reduce_max3A_596 = arith.constant dense<0xFF800000> : vector<256xf32>
    %reduce_max3A_597 = vector.multi_reduction <maximumf>, %select_n3A_595, %reduce_max3A_596 [1] : vector<256x1024xf32> to vector<256xf32>
    %broadcast_in_dim3A_598 = vector.shape_cast %reduce_max3A_597 : vector<256xf32> to vector<256x1xf32>
    %eq3A_599 = vector.broadcast %broadcast_in_dim3A_598 : vector<256x1xf32> to vector<256x1024xf32>
    %eq3A_600 = arith.cmpf oeq, %select_n3A_595, %eq3A_599 : vector<256x1024xf32>
    %jit3A_601 = arith.constant 1024 : i32
    %broadcast_in_dim3A_602 = vector.broadcast %jit3A_601 : i32 to vector<256x1024xi32>
    %select_n3A_603 = arith.select %eq3A_600, %iota3A, %broadcast_in_dim3A_602 : vector<256x1024xi1>, vector<256x1024xi32>
    %reduce_min3A_604 = arith.constant dense<2147483647> : vector<256xi32>
    %reduce_min3A_605 = vector.multi_reduction <minsi>, %select_n3A_603, %reduce_min3A_604 [1] : vector<256x1024xi32> to vector<256xi32>
    %broadcast_in_dim3A_606 = vector.shape_cast %reduce_min3A_605 : vector<256xi32> to vector<256x1xi32>
    %eq3A_607 = vector.broadcast %broadcast_in_dim3A_606 : vector<256x1xi32> to vector<256x1024xi32>
    %eq3A_608 = arith.cmpi eq, %iota3A, %eq3A_607 : vector<256x1024xi32>
    %convert_element_type3A_609 = arith.extui %eq3A_608 : vector<256x1024xi1> to vector<256x1024xi32>
    %convert_element_type3A_610 = arith.sitofp %convert_element_type3A_609 : vector<256x1024xi32> to vector<256x1024xf32>
    %add3A_611 = arith.addf %add3A_592, %convert_element_type3A_610 : vector<256x1024xf32>
    %jit3A_612 = arith.constant 0xFF800000 : f32
    %broadcast_in_dim3A_613 = vector.broadcast %jit3A_612 : f32 to vector<256x1024xf32>
    %select_n3A_614 = arith.select %eq3A_608, %broadcast_in_dim3A_613, %select_n3A_595 : vector<256x1024xi1>, vector<256x1024xf32>
    %reduce_max3A_615 = arith.constant dense<0xFF800000> : vector<256xf32>
    %reduce_max3A_616 = vector.multi_reduction <maximumf>, %select_n3A_614, %reduce_max3A_615 [1] : vector<256x1024xf32> to vector<256xf32>
    %broadcast_in_dim3A_617 = vector.shape_cast %reduce_max3A_616 : vector<256xf32> to vector<256x1xf32>
    %eq3A_618 = vector.broadcast %broadcast_in_dim3A_617 : vector<256x1xf32> to vector<256x1024xf32>
    %eq3A_619 = arith.cmpf oeq, %select_n3A_614, %eq3A_618 : vector<256x1024xf32>
    %jit3A_620 = arith.constant 1024 : i32
    %broadcast_in_dim3A_621 = vector.broadcast %jit3A_620 : i32 to vector<256x1024xi32>
    %select_n3A_622 = arith.select %eq3A_619, %iota3A, %broadcast_in_dim3A_621 : vector<256x1024xi1>, vector<256x1024xi32>
    %reduce_min3A_623 = arith.constant dense<2147483647> : vector<256xi32>
    %reduce_min3A_624 = vector.multi_reduction <minsi>, %select_n3A_622, %reduce_min3A_623 [1] : vector<256x1024xi32> to vector<256xi32>
    %broadcast_in_dim3A_625 = vector.shape_cast %reduce_min3A_624 : vector<256xi32> to vector<256x1xi32>
    %eq3A_626 = vector.broadcast %broadcast_in_dim3A_625 : vector<256x1xi32> to vector<256x1024xi32>
    %eq3A_627 = arith.cmpi eq, %iota3A, %eq3A_626 : vector<256x1024xi32>
    %convert_element_type3A_628 = arith.extui %eq3A_627 : vector<256x1024xi1> to vector<256x1024xi32>
    %convert_element_type3A_629 = arith.sitofp %convert_element_type3A_628 : vector<256x1024xi32> to vector<256x1024xf32>
    %add3A_630 = arith.addf %add3A_611, %convert_element_type3A_629 : vector<256x1024xf32>
    %jit3A_631 = arith.constant 0xFF800000 : f32
    %broadcast_in_dim3A_632 = vector.broadcast %jit3A_631 : f32 to vector<256x1024xf32>
    %select_n3A_633 = arith.select %eq3A_627, %broadcast_in_dim3A_632, %select_n3A_614 : vector<256x1024xi1>, vector<256x1024xf32>
    %reduce_max3A_634 = arith.constant dense<0xFF800000> : vector<256xf32>
    %reduce_max3A_635 = vector.multi_reduction <maximumf>, %select_n3A_633, %reduce_max3A_634 [1] : vector<256x1024xf32> to vector<256xf32>
    %broadcast_in_dim3A_636 = vector.shape_cast %reduce_max3A_635 : vector<256xf32> to vector<256x1xf32>
    %eq3A_637 = vector.broadcast %broadcast_in_dim3A_636 : vector<256x1xf32> to vector<256x1024xf32>
    %eq3A_638 = arith.cmpf oeq, %select_n3A_633, %eq3A_637 : vector<256x1024xf32>
    %jit3A_639 = arith.constant 1024 : i32
    %broadcast_in_dim3A_640 = vector.broadcast %jit3A_639 : i32 to vector<256x1024xi32>
    %select_n3A_641 = arith.select %eq3A_638, %iota3A, %broadcast_in_dim3A_640 : vector<256x1024xi1>, vector<256x1024xi32>
    %reduce_min3A_642 = arith.constant dense<2147483647> : vector<256xi32>
    %reduce_min3A_643 = vector.multi_reduction <minsi>, %select_n3A_641, %reduce_min3A_642 [1] : vector<256x1024xi32> to vector<256xi32>
    %broadcast_in_dim3A_644 = vector.shape_cast %reduce_min3A_643 : vector<256xi32> to vector<256x1xi32>
    %eq3A_645 = vector.broadcast %broadcast_in_dim3A_644 : vector<256x1xi32> to vector<256x1024xi32>
    %eq3A_646 = arith.cmpi eq, %iota3A, %eq3A_645 : vector<256x1024xi32>
    %convert_element_type3A_647 = arith.extui %eq3A_646 : vector<256x1024xi1> to vector<256x1024xi32>
    %convert_element_type3A_648 = arith.sitofp %convert_element_type3A_647 : vector<256x1024xi32> to vector<256x1024xf32>
    %add3A_649 = arith.addf %add3A_630, %convert_element_type3A_648 : vector<256x1024xf32>
    %jit3A_650 = arith.constant 0xFF800000 : f32
    %broadcast_in_dim3A_651 = vector.broadcast %jit3A_650 : f32 to vector<256x1024xf32>
    %select_n3A_652 = arith.select %eq3A_646, %broadcast_in_dim3A_651, %select_n3A_633 : vector<256x1024xi1>, vector<256x1024xf32>
    %reduce_max3A_653 = arith.constant dense<0xFF800000> : vector<256xf32>
    %reduce_max3A_654 = vector.multi_reduction <maximumf>, %select_n3A_652, %reduce_max3A_653 [1] : vector<256x1024xf32> to vector<256xf32>
    %broadcast_in_dim3A_655 = vector.shape_cast %reduce_max3A_654 : vector<256xf32> to vector<256x1xf32>
    %eq3A_656 = vector.broadcast %broadcast_in_dim3A_655 : vector<256x1xf32> to vector<256x1024xf32>
    %eq3A_657 = arith.cmpf oeq, %select_n3A_652, %eq3A_656 : vector<256x1024xf32>
    %jit3A_658 = arith.constant 1024 : i32
    %broadcast_in_dim3A_659 = vector.broadcast %jit3A_658 : i32 to vector<256x1024xi32>
    %select_n3A_660 = arith.select %eq3A_657, %iota3A, %broadcast_in_dim3A_659 : vector<256x1024xi1>, vector<256x1024xi32>
    %reduce_min3A_661 = arith.constant dense<2147483647> : vector<256xi32>
    %reduce_min3A_662 = vector.multi_reduction <minsi>, %select_n3A_660, %reduce_min3A_661 [1] : vector<256x1024xi32> to vector<256xi32>
    %broadcast_in_dim3A_663 = vector.shape_cast %reduce_min3A_662 : vector<256xi32> to vector<256x1xi32>
    %eq3A_664 = vector.broadcast %broadcast_in_dim3A_663 : vector<256x1xi32> to vector<256x1024xi32>
    %eq3A_665 = arith.cmpi eq, %iota3A, %eq3A_664 : vector<256x1024xi32>
    %convert_element_type3A_666 = arith.extui %eq3A_665 : vector<256x1024xi1> to vector<256x1024xi32>
    %convert_element_type3A_667 = arith.sitofp %convert_element_type3A_666 : vector<256x1024xi32> to vector<256x1024xf32>
    %add3A_668 = arith.addf %add3A_649, %convert_element_type3A_667 : vector<256x1024xf32>
    %jit3A_669 = arith.constant 0xFF800000 : f32
    %broadcast_in_dim3A_670 = vector.broadcast %jit3A_669 : f32 to vector<256x1024xf32>
    %select_n3A_671 = arith.select %eq3A_665, %broadcast_in_dim3A_670, %select_n3A_652 : vector<256x1024xi1>, vector<256x1024xf32>
    %reduce_max3A_672 = arith.constant dense<0xFF800000> : vector<256xf32>
    %reduce_max3A_673 = vector.multi_reduction <maximumf>, %select_n3A_671, %reduce_max3A_672 [1] : vector<256x1024xf32> to vector<256xf32>
    %broadcast_in_dim3A_674 = vector.shape_cast %reduce_max3A_673 : vector<256xf32> to vector<256x1xf32>
    %eq3A_675 = vector.broadcast %broadcast_in_dim3A_674 : vector<256x1xf32> to vector<256x1024xf32>
    %eq3A_676 = arith.cmpf oeq, %select_n3A_671, %eq3A_675 : vector<256x1024xf32>
    %jit3A_677 = arith.constant 1024 : i32
    %broadcast_in_dim3A_678 = vector.broadcast %jit3A_677 : i32 to vector<256x1024xi32>
    %select_n3A_679 = arith.select %eq3A_676, %iota3A, %broadcast_in_dim3A_678 : vector<256x1024xi1>, vector<256x1024xi32>
    %reduce_min3A_680 = arith.constant dense<2147483647> : vector<256xi32>
    %reduce_min3A_681 = vector.multi_reduction <minsi>, %select_n3A_679, %reduce_min3A_680 [1] : vector<256x1024xi32> to vector<256xi32>
    %broadcast_in_dim3A_682 = vector.shape_cast %reduce_min3A_681 : vector<256xi32> to vector<256x1xi32>
    %eq3A_683 = vector.broadcast %broadcast_in_dim3A_682 : vector<256x1xi32> to vector<256x1024xi32>
    %eq3A_684 = arith.cmpi eq, %iota3A, %eq3A_683 : vector<256x1024xi32>
    %convert_element_type3A_685 = arith.extui %eq3A_684 : vector<256x1024xi1> to vector<256x1024xi32>
    %convert_element_type3A_686 = arith.sitofp %convert_element_type3A_685 : vector<256x1024xi32> to vector<256x1024xf32>
    %add3A_687 = arith.addf %add3A_668, %convert_element_type3A_686 : vector<256x1024xf32>
    %dot_general3A = arith.constant dense<0.000000e+00> : vector<1024x1024xf32>
    %dot_general3A_688 = tpu.matmul %add3A_687, %add3A_687, %dot_general3A {dimension_numbers = #tpu.dot_dimension_numbers<[0], [0], [1], [1], [0, 1, 1, 1], [], []>, transpose_lhs_hint = false} : vector<256x1024xf32>, vector<256x1024xf32>, vector<1024x1024xf32> -> vector<1024x1024xf32>
    %eq3A_689 = arith.constant 0 : i32
    %eq3A_690 = arith.cmpi eq, %arg0, %eq3A_689 : i32
    %convert_element_type3A_691 = arith.extui %eq3A_690 : i1 to i32
    %cond3A = arith.constant 0 : i32
    %cond3A_692 = arith.cmpi ne, %convert_element_type3A_691, %cond3A : i32
    scf.if %cond3A_692 {
      %swap3A = arith.constant 0 : index
      %swap3A_697 = arith.constant 0 : index
      %swap3A_698 = vector.load %arg9[%swap3A, %swap3A_697] : memref<1024x1024xf32, #tpu.memory_space<vmem>>, vector<1024x1024xf32>
      tpu.vector_store %arg9[%swap3A, %swap3A_697], %dot_general3A_688 {strides = array<i32>} : memref<1024x1024xf32, #tpu.memory_space<vmem>>, vector<1024x1024xf32>,
    } else {
    }
    %ne3A = arith.constant 0 : i32
    %ne3A_693 = arith.cmpi ne, %arg0, %ne3A : i32
    %convert_element_type3A_694 = arith.extui %ne3A_693 : i1 to i32
    %cond3A_695 = arith.constant 0 : i32
    %cond3A_696 = arith.cmpi ne, %convert_element_type3A_694, %cond3A_695 : i32
    scf.if %cond3A_696 {
      %get3A_697 = arith.constant 0 : index
      %get3A_698 = arith.constant 0 : index
      %get3A_699 = vector.load %arg9[%get3A_697, %get3A_698] : memref<1024x1024xf32, #tpu.memory_space<vmem>>, vector<1024x1024xf32>
      %add3A_700 = arith.addf %get3A_699, %dot_general3A_688 : vector<1024x1024xf32>
      %swap3A = arith.constant 0 : index
      %swap3A_701 = arith.constant 0 : index
      %swap3A_702 = vector.load %arg9[%swap3A, %swap3A_701] : memref<1024x1024xf32, #tpu.memory_space<vmem>>, vector<1024x1024xf32>
      tpu.vector_store %arg9[%swap3A, %swap3A_701], %add3A_700 {strides = array<i32>} : memref<1024x1024xf32, #tpu.memory_space<vmem>>, vector<1024x1024xf32>,
    } else {
    }
    return
  }
  func.func @transform_0(%arg0: i32) -> (i32, i32) {
    %c0_i32 = arith.constant 0 : i32
    %c0_i32_0 = arith.constant 0 : i32
    return %arg0, %c0_i32 : i32, i32
  }
  func.func @transform_1(%arg0: i32) -> (i32, i32) {
    %c0_i32 = arith.constant 0 : i32
    %c0_i32_0 = arith.constant 0 : i32
    return %arg0, %c0_i32 : i32, i32
  }
  func.func @transform_2(%arg0: i32) -> (i32, i32) {
    %c0_i32 = arith.constant 0 : i32
    %c0_i32_0 = arith.constant 0 : i32
    return %arg0, %c0_i32 : i32, i32
  }
  func.func @transform_3(%arg0: i32) -> (i32, i32) {
    %c0_i32 = arith.constant 0 : i32
    %c0_i32_0 = arith.constant 0 : i32
    return %arg0, %c0_i32 : i32, i32
  }
  func.func @transform_4(%arg0: i32) -> (i32, i32) {
    %c0_i32 = arith.constant 0 : i32
    %c0_i32_0 = arith.constant 0 : i32
    %c0_i32_1 = arith.constant 0 : i32
    return %c0_i32, %c0_i32_0 : i32, i32
  }
  func.func @transform_5(%arg0: i32) -> (i32, i32) {
    %c0_i32 = arith.constant 0 : i32
    %c0_i32_0 = arith.constant 0 : i32
    %c0_i32_1 = arith.constant 0 : i32
    return %c0_i32, %c0_i32_0 : i32, i32
  }
  func.func @transform_6(%arg0: i32) -> (i32, i32) {
    %c0_i32 = arith.constant 0 : i32
    %c0_i32_0 = arith.constant 0 : i32
    %c0_i32_1 = arith.constant 0 : i32
    return %c0_i32, %c0_i32_0 : i32, i32
  }
  func.func @transform_7(%arg0: i32) -> (i32, i32) {
    %c0_i32 = arith.constant 0 : i32
    %c0_i32_0 = arith.constant 0 : i32
    %c0_i32_1 = arith.constant 0 : i32
    return %c0_i32, %c0_i32_0 : i32, i32
  }
  func.func @transform_8(%arg0: i32) -> (i32, i32) {
    %c0_i32 = arith.constant 0 : i32
    %c0_i32_0 = arith.constant 0 : i32
    %c0_i32_1 = arith.constant 0 : i32
    return %c0_i32, %c0_i32_0 : i32, i32
  }
}

</mosaic_0001>

<sc_bundles>
// kernel: kernel.5.cloned.1.call-start
scs
__scs_entry_jumppad:
0x0: {  	(pc) =	sbr.rel $0x88, $3  }
0x1: {  	(tag) =	ssettag $0x0;
	lr =	simm.s32 $0x1  }
0x2: {  	[smem:$0x3F9D] =	sst lr;
	_ =	strace $0xD0000000  }
0x3: {  	_ = 	snop  }
0x4: {  	_ = 	snop  }
0x5: {  	_ = 	snop  }
0x6: {  	_ = 	snop  }
0x7: {  	_ = 	snop  }
__scs_overlays_trampoline_lowered:
0x8: {  	[smem:$0x3FAC] =	sst s0  }
0x9: {  	[smem:$0x3FAD] =	sst s1  }
0xa: {  	[smem:$0x3FAE] =	sst s2  }
0xb: {  	[smem:$0x3FAF] =	sst s3  }
0xc: {  	[smem:$0x3FB0] =	sst s4  }
0xd: {  	[smem:$0x3FB1] =	sst s5  }
0xe: {  	[smem:$0x3FB2] =	sst s6  }
0xf: {  	[smem:$0x3FB3] =	sst s7  }
0x10: {  	[smem:$0x3FB4] =	sst s8  }
0x11: {  	[smem:$0x3FB5] =	sst s9;
	s0 =	simm.s32 @!p0 $0x0  }
0x12: {  	s1 =	sld [smem:$0x3F9B];
	s0 =	simm.s32 @p0 $0x1  }
0x13: {  	[smem:$0x3FB6] =	sst s0;
	s0 =	simm.s32 @!p1 $0x0  }
0x14: {  	s2 =	sld [smem:$0x3F9A];
	s0 =	simm.s32 @p1 $0x1  }
0x15: {  	[smem:$0x3FB7] =	sst s0;
	s0 =	simm.s32 @!p2 $0x0  }
0x16: {  	s3 =	sld [smem:$0x3FDB];
	s0 =	simm.s32 @p2 $0x1  }
0x17: {  	s4 =	simm.s32 $0x1BF5;
	[smem:$0x3FB9] =	sst s0  }
0x18: {  	s0 =	sld [smem:$0x3F9C];
	_ =	swait.ge [sflag:s4], $0x0  }
0x19: {  	s7 =	sld [smem:$0x3F9D]  }
0x1a: {  	s8 =	sadd.s32 $0xFFFFE003, lr  }
0x1b: {  	s9 =	sadd.s32 $0xFFFFFEF7, lr;
	s5 =	simm.s32 $0xFFFFFFFF;
	p2 =	slt.u32 s8, $0xFFFFF086  }
0x1c: {  	p1 =	slt.u32 s9, $0xF7A;
	s5 =	simm.s32 @!p2 $0x0  }
0x1d: {  	s5 =	simm.s32 @p1 $0x1;
	p0 =	seq.s32 s7, s2  }
0x1e: {  	s7 =	smul.u32 @!p0 $0xF7A, s2;
	p2 =	seq.s32 @!p0 s5, $0x0  }
0x1f: {  	s9 =	smul.u32 $0xF7A, s1;
	s8 =	simm.s32 @!p0 $0x1BF5;
	p2 =	por !p2, p0  }
0x20: {  	[sflag:s8] =	ssyncset.s32 @!p0 $0xFFFFF086;
	s6 =	sadd.s32 @!p0 s3, s7;
	s7 =	simm.s32 @!p0 $0x108  }
0x21: {  	s3 =	sadd.s32 s3, s9;
	s6 =	sadd.s32 @!p0 $0x88, s6;
	s7 =	simm.s32 @p2 $0x1082  }
0x22: {  	[simem:s7], [sflag:s8] =	dma.local @!p0 [hbm:s6], $0xF7A  }
0x23: {  	s9 =	sor.u32 $0xD0000000, s2;
	s6 =	simm.s32 $0x108;
	_ =	swait.ge @!p0 [sflag:s8], $0x0  }
0x24: {  	s3 =	sadd.s32 $0x88, s3;
	s6 =	simm.s32 @!p1 $0x1082;
	[sflag:s4] =	ssyncset.s32 $0xFFFFF086  }
0x25: {  	[simem:s6], [sflag:s4] =	dma.local [hbm:s3], $0xF7A  }
0x26: {  	[smem:$0x3F9D] =	sst s1;
	(tag) =	ssettag s2;
	_ =	strace s9  }
0x27: {  	s1 =	sld [smem:$0x3FAD]  }
0x28: {  	s2 =	sld [smem:$0x3FAE]  }
0x29: {  	s4 =	sld [smem:$0x3FB0]  }
0x2a: {  	p0 =	seq.s32 s5, $0x0;
	s5 =	sld [smem:$0x3FB1]  }
0x2b: {  	s6 =	sld [smem:$0x3FB2]  }
0x2c: {  	s7 =	sld [smem:$0x3FB3]  }
0x2d: {  	s3 =	simm.s32 $0x108;
	s8 =	sld [smem:$0x3FB4]  }
0x2e: {  	s3 =	simm.s32 @!p0 $0x1082;
	s9 =	sld [smem:$0x3FB5]  }
0x2f: {  	lr =	sadd.s32 s0, s3;
	s0 =	sld [smem:$0x3FAC]  }
0x30: {  	s3 =	sld [smem:$0x3FAF]  }
0x31: {  	[smem:$0x3FB8] =	sst s10  }
0x32: {  	s10 =	sld [smem:$0x3FB6];
	_ =	sdelay $0x3  }
0x33: {  	p0 =	seq.s32 s10, $0x1;
	s10 =	sld [smem:$0x3FB8];
	_ =	sdelay $0x3  }
0x34: {  	[smem:$0x3FB8] =	sst s10  }
0x35: {  	s10 =	sld [smem:$0x3FB7];
	_ =	sdelay $0x3  }
0x36: {  	p1 =	seq.s32 s10, $0x1;
	s10 =	sld [smem:$0x3FB8];
	_ =	sdelay $0x3  }
0x37: {  	[smem:$0x3FB8] =	sst s10  }
0x38: {  	s10 =	sld [smem:$0x3FB9]  }
0x39: {  	_ = 	snop;
	(pc) =	sbr.ind lr, $3  }
0x3a: {  	_ = 	snop  }
0x3b: {  	_ = 	snop  }
0x3c: {  	p2 =	seq.s32 s10, $0x1;
	s10 =	sld [smem:$0x3FB8]  }
0x3d: {  	_ =	shalt  }
0x3e: {  	_ =	shalt  }
0x3f: {  	_ =	shalt  }
0x40: {  	_ =	shalt  }
0x41: {  	_ =	shalt  }
0x42: {  	_ =	shalt  }
0x43: {  	_ =	shalt  }
0x44: {  	_ =	shalt  }
0x45: {  	_ =	shalt  }
0x46: {  	_ =	shalt  }
0x47: {  	_ =	shalt  }
0x48: {  	_ =	shalt  }
0x49: {  	_ =	shalt  }
0x4a: {  	_ =	shalt  }
0x4b: {  	_ =	shalt  }
0x4c: {  	_ =	shalt  }
0x4d: {  	_ =	shalt  }
0x4e: {  	_ =	shalt  }
0x4f: {  	_ =	shalt  }
0x50: {  	_ =	shalt  }
0x51: {  	_ =	shalt  }
0x52: {  	_ =	shalt  }
0x53: {  	_ =	shalt  }
0x54: {  	_ =	shalt  }
0x55: {  	_ =	shalt  }
0x56: {  	_ =	shalt  }
0x57: {  	_ =	shalt  }
0x58: {  	_ =	shalt  }
0x59: {  	_ =	shalt  }
0x5a: {  	_ =	shalt  }
0x5b: {  	_ =	shalt  }
0x5c: {  	_ =	shalt  }
0x5d: {  	_ =	shalt  }
0x5e: {  	_ =	shalt  }
0x5f: {  	_ =	shalt  }
0x60: {  	_ =	shalt  }
0x61: {  	_ =	shalt  }
0x62: {  	_ =	shalt  }
0x63: {  	_ =	shalt  }
0x64: {  	_ =	shalt  }
0x65: {  	_ =	shalt  }
0x66: {  	_ =	shalt  }
0x67: {  	_ =	shalt  }
0x68: {  	_ =	shalt  }
0x69: {  	_ =	shalt  }
0x6a: {  	_ =	shalt  }
0x6b: {  	_ =	shalt  }
0x6c: {  	_ =	shalt  }
0x6d: {  	_ =	shalt  }
0x6e: {  	_ =	shalt  }
0x6f: {  	_ =	shalt  }
0x70: {  	_ =	shalt  }
0x71: {  	_ =	shalt  }
0x72: {  	_ =	shalt  }
0x73: {  	_ =	shalt  }
0x74: {  	_ =	shalt  }
0x75: {  	_ =	shalt  }
0x76: {  	_ =	shalt  }
0x77: {  	_ =	shalt  }
0x78: {  	_ =	shalt  }
0x79: {  	_ =	shalt  }
0x7a: {  	_ =	shalt  }
0x7b: {  	_ =	shalt  }
0x7c: {  	_ =	shalt  }
0x7d: {  	_ =	shalt  }
0x7e: {  	_ =	shalt  }
0x7f: {  	_ =	shalt  }
0x80: {  	_ =	shalt  }
0x81: {  	_ =	shalt  }
0x82: {  	_ =	shalt  }
0x83: {  	_ =	shalt  }
0x84: {  	_ =	shalt  }
0x85: {  	_ =	shalt  }
0x86: {  	_ =	shalt  }
0x87: {  	_ =	shalt  }
.Lfunc_end0:
.L_simem_size_0:
called_computation_lowered:
.L_overlay_start_0:
0x88: {  	s2 =	sld [smem:$0x3FD9]  }
0x89: {  	s3 =	sld [smem:$0x3FFE];
	_ =	sdelay $0x1  }
0x8a: {  	s1 =	srdreg.scid  }
0x8b: {  	s0 =	sand.u32 $0x1, s1  }
0x8c: {  	s14 =	sshll.u32 s0, $0xA;
	s2 =	sadd.s32 s3, s2  }
0x8d: {  	s2 =	sadd.s32 s2, s14  }
0x8e: {  	[smem:$0x3FC4] =	sst s2  }
0x8f: {  	_ = 	snop  }
0x90: {  	s2 =	sld [smem:$0x3FD0];
	_ =	sdelay $0x2  }
0x91: {  	s15 =	simm.s32 $0xA;
	s4 =	simm.s32 $0x10  }
0x92: {  	[smem:s4], [sflag:s15] =	dma.local [hbm:s2], $0x1  }
0x93: {  	_ =	swait.eq [sflag:s15], $0x1  }
0x94: {  	[sflag:s15] =	ssyncset.done $0x0  }
0x95: {  	[sflag:s15] =	ssyncadd.s32 $0xFFFFFFFF  }
0x96: {  	s16 =	sld [smem:$0x11];
	(tm) =	ssettm $0x1  }
0x97: {  	s17 =	sld [smem:$0x3FFB];
	_ =	sdelay $0x3  }
0x98: {  	_ =	strace s17  }
0x99: {  	s3 =	sld [smem:$0x3FFC];
	_ =	sdelay $0x3  }
0x9a: {  	_ =	strace s3  }
0x9b: {  	s3 =	sld [smem:$0x3FFD];
	_ =	sdelay $0x3  }
0x9c: {  	_ =	strace s3  }
0x9d: {  	_ =	strace $0x8FFFFFFF  }
0x9e: {  	s18 =	sld [smem:$0x3FDB];
	_ =	sdelay $0x1  }
0x9f: {  	s19 =	simm.s32 $_scs_section_size  }
0xa0: {  	s5 =	simm.s32 $_size__tile_overlayer_lowered;
	s6 =	simm.s32 $_tile_overlayer_lowered  }
0xa1: {  	s22 =	simm.s32 $0x1BFF;
	s21 =	sshll.u32 s6, $0x1;
	s3 =	sadd.s32 s19, s18  }
0xa2: {  	s7 =	simm.s32 $0x0;
	s20 =	sshll.u32 s5, $0x1;
	s5 =	sadd.s32 s21, s3  }
0xa3: {  	[timem:s7], [sflag:s22] =	dma.local [hbm:s5], s20  }
0xa4: {  	_ =	swait.ge [sflag:s22], s20  }
0xa5: {  	s4 =	ssub.s32 $0x0, s20;
	[sflag:s22] =	ssyncset.done $0x0  }
0xa6: {  	[sflag:s22] =	ssyncadd.s32 s4;
	_ =	sdelay $0x1  }
0xa7: {  	s23 =	simm.s32 $0x1B8B  }
0xa8: {  	_ =	swait.ge [sflag:s23], $0x1  }
0xa9: {  	[sflag:s23] =	ssyncset.done $0x0  }
0xaa: {  	s25 =	simm.s32 $0x1B8E;
	s24 =	sld [smem:$0x3FFE];
	[sflag:s23] =	ssyncadd.s32 $0xFFFFFFFF  }
0xab: {  	s26 =	simm.s32 $execute0_lowered;
	[smem:$0x3FD2] =	sst s25  }
0xac: {  	s5 =	sshll.u32 s26, $0x1;
	_ =	strace $0x80000046;
	[dreg:$0x1] =	wrdreg $0xFFFFFFFF  }
0xad: {  	s28 =	simm.s32 $_size_execute0_lowered;
	s3 =	sadd.s32 s3, s5;
	[dreg:$0x0] =	wrdreg $0x0  }
0xae: {  	s5 =	sshll.u32 s28, $0x1;
	[dreg:$0x2] =	wrdreg s3  }
0xaf: {  	[dreg:$0x3] =	wrdreg s5  }
0xb0: {  	[dreg:$0x4] =	wrdreg $0xC0  }
0xb1: {  	_ =	task [dreg:s7], $0x5FFFF  }
0xb2: {  	[dreg:$0x1] =	wrdreg $0xFFFFFFFF  }
0xb3: {  	[dreg:$0x0] =	wrdreg $0x60  }
0xb4: {  	[dreg:$0x2] =	wrdreg s16  }
0xb5: {  	[dreg:$0x3] =	wrdreg s24  }
0xb6: {  	[dreg:$0x4] =	wrdreg $0x9  }
0xb7: {  	_ =	task.clear_ibuf [dreg:s7], $0x5FFFF;
	_ =	strace $0x90000046  }
0xb8: {  	s29 =	simm.s32 $0x9;
	_ =	strace $0x80000048  }
0xb9: {  	_ =	swait.ge [sflag:s29], $0x1  }
0xba: {  	[sflag:s29] =	ssyncadd.s32 $0xFFFFFFFF  }
0xbb: {  	_ =	strace $0x90000048  }
0xbc: {  	_ =	sfence  }
0xbd: {  	s30 =	sld [smem:$0x0];
	_ =	sdelay $0x2  }
0xbe: {  	s31 =	sshll.u32 s1, $0xD;
	s1 =	sshrl.u32 s1, $0x2  }
0xbf: {  	s3 =	sand.u32 $0x4000, s31;
	s1 =	sadd.s32 s1, s30  }
0xc0: {  	s0 =	sor.u32 s3, s0;
	s1 =	sshll.u32 s1, $0x11  }
0xc1: {  	s0 =	sor.u32 s1, s0  }
0xc2: {  	s0 =	sadd.s32 $0x8F2B, s0  }
0xc3: {  	[sflag:s0] =	ssyncadd.remote.s32 $0x1  }
0xc4: {  	_ =	sfence.sel $0xFFFF  }
0xc5: {  	[dreg:$0x0] =	wrdreg $0xFFFFFFFF;
	(pc) =	sbr.abs _section_cstart, $3  }
0xc6: {  	[dreg:$0x1] =	wrdreg $0xFFFFFFFF  }
0xc7: {  	_ =	task.clear_ibuf [dreg:s7], $0x2FFFF;
	_ =	strace $0x9FFFFFFF  }
0xc8: {  	(tm) =	ssettm $0x7FFFFFFF  }
0xc9: {  	_ =	shalt  }
tec
execute0_lowered:
.L_overlay_start_1:
0x0: {  	(tag) =	ssettag $0x1  }
0x1: {  	s3 =	rddreg [dreg:$0x0]  }
0x2: {  	s5 =	rddreg [dreg:$0x1];
	s2 =	srdreg.scid  }
0x3: {  	s0 =	rddreg [dreg:$0x2];
	s1 =	stileid.u32;
	s10 =	sand.u32 $0x1, s2  }
0x4: {  	s2 =	simm.s32 $0x0;
	s4 =	sshll.u32 s1, $0xA;
	s6 =	sshll.u32 s10, $0x9  }
0x5: {  	[smem:$0x7FF] =	sst s2;
	s6 =	sor.u32 s6, s4  }
0x6: {  	_ =	strace $0x80000047;
	s4 =	sadd.s32 s3, s6;
	s3 =	simm.s32 $0x1  }
0x7: {  	[tilespmem:s2], [sflag:$0x1] =	stream.linear.gather [hbm4b:s4+s2], $0x1000, $0x38;
	[tilespmem:$0x1000] =	vst v63  }
0x8: {  	_ =	swait.ge [sflag:s3], $0x1000  }
0x9: {  	s11 =	sadd.s32 s6, s5;
	[sflag:s3] =	ssyncset.done $0x0  }
0xa: {  	s5 =	sadd.s32 $0xD400, s11;
	[sflag:s3] =	ssyncadd.s32 $0xFFFFF000  }
0xb: {  	[hbm4b:s5+s2] =	stream.linear.scatter [tilespmem:s2], [sflag:$0x1], $0x1000, $0x38;
	[tilespmem:$0x1000] =	vst v63  }
0xc: {  	_ =	swait.ge [sflag:s3], $0x1000  }
0xd: {  	[sflag:s3] =	ssyncset.done $0x0  }
0xe: {  	s6 =	sadd.s32 $0x1400, s11;
	[sflag:s3] =	ssyncadd.s32 $0xFFFFF000  }
0xf: {  	[tilespmem:s2], [sflag:$0x1] =	stream.linear.gather [hbm4b:s6+s2], $0x1000, $0x38;
	[tilespmem:$0x1000] =	vst v63  }
0x10: {  	_ =	swait.ge [sflag:s3], $0x1000  }
0x11: {  	[sflag:s3] =	ssyncset.done $0x0  }
0x12: {  	s7 =	sadd.s32 $0x11400, s11;
	[sflag:s3] =	ssyncadd.s32 $0xFFFFF000  }
0x13: {  	[hbm4b:s7+s2] =	stream.linear.scatter [tilespmem:s2], [sflag:$0x1], $0x1000, $0x38;
	[tilespmem:$0x1000] =	vst v63  }
0x14: {  	_ =	swait.ge [sflag:s3], $0x1000  }
0x15: {  	[sflag:s3] =	ssyncset.done $0x0  }
0x16: {  	s8 =	sadd.s32 $0x5400, s11;
	[sflag:s3] =	ssyncadd.s32 $0xFFFFF000  }
0x17: {  	[tilespmem:s2], [sflag:$0x1] =	stream.linear.gather [hbm4b:s8+s2], $0x1000, $0x38;
	[tilespmem:$0x1000] =	vst v63  }
0x18: {  	_ =	swait.ge [sflag:s3], $0x1000  }
0x19: {  	[sflag:s3] =	ssyncset.done $0x0  }
0x1a: {  	s12 =	ssub.s32 $0x2, s10;
	s9 =	sadd.s32 $0x15400, s11;
	[sflag:s3] =	ssyncadd.s32 $0xFFFFF000  }
0x1b: {  	[hbm4b:s9+s2] =	stream.linear.scatter [tilespmem:s2], [sflag:$0x1], $0x1000, $0x38;
	[tilespmem:$0x1000] =	vst v63  }
0x1c: {  	s13 =	sshrl.u32 s12, $0x1;
	_ =	swait.ge [sflag:s3], $0x1000  }
0x1d: {  	s12 =	ssub.s32 s12, s13;
	[sflag:s3] =	ssyncset.done $0x0  }
0x1e: {  	s10 =	sadd.s32 $0x9400, s11;
	s12 =	smax.u32 s12, $0x1;
	[sflag:s3] =	ssyncadd.s32 $0xFFFFF000  }
0x1f: {  	[tilespmem:s2], [sflag:$0x1] =	stream.linear.gather [hbm4b:s10+s2], $0x1000, $0x38;
	[tilespmem:$0x1000] =	vst v63  }
0x20: {  	p0 =	sne.s32 s12, $0x1;
	_ =	swait.ge [sflag:s3], $0x1000  }
.Ltmp0:
0x21: {  	[sflag:s3] =	ssyncset.done $0x0;
	(pc) =	sbr.rel @!p0 .LBB2_2-.Ltmp0, $4  }
0x22: {  	s11 =	sadd.s32 $0x19400, s11;
	[sflag:s3] =	ssyncadd.s32 $0xFFFFF000  }
0x23: {  	[hbm4b:s11+s2] =	stream.linear.scatter [tilespmem:s2], [sflag:$0x1], $0x1000, $0x38;
	[tilespmem:$0x1000] =	vst v63  }
0x24: {  	_ =	swait.ge [sflag:s3], $0x1000  }
0x25: {  	s12 =	sadd.s32 $0xFFFFFFFF, s12;
	[sflag:s3] =	ssyncset.done $0x0  }
.LBB2_1:
0x26: {  	p0 =	sne.s32 s12, $0x1;
	s12 =	sadd.s32 $0xFFFFFFFF, s12;
	[sflag:s3] =	ssyncadd.s32 $0xFFFFF000  }
0x27: {  	[tilespmem:s2], [sflag:$0x1] =	stream.linear.gather [hbm4b:s4+s2], $0x1000, $0x38;
	[tilespmem:$0x1000] =	vst v63  }
0x28: {  	_ =	swait.ge [sflag:s3], $0x1000  }
0x29: {  	[sflag:s3] =	ssyncset.done $0x0  }
0x2a: {  	[sflag:s3] =	ssyncadd.s32 $0xFFFFF000  }
0x2b: {  	[hbm4b:s5+s2] =	stream.linear.scatter [tilespmem:s2], [sflag:$0x1], $0x1000, $0x38;
	[tilespmem:$0x1000] =	vst v63  }
0x2c: {  	_ =	swait.ge [sflag:s3], $0x1000  }
0x2d: {  	[sflag:s3] =	ssyncset.done $0x0  }
0x2e: {  	[sflag:s3] =	ssyncadd.s32 $0xFFFFF000  }
0x2f: {  	[tilespmem:s2], [sflag:$0x1] =	stream.linear.gather [hbm4b:s6+s2], $0x1000, $0x38;
	[tilespmem:$0x1000] =	vst v63  }
0x30: {  	_ =	swait.ge [sflag:s3], $0x1000  }
0x31: {  	[sflag:s3] =	ssyncset.done $0x0  }
0x32: {  	[sflag:s3] =	ssyncadd.s32 $0xFFFFF000  }
0x33: {  	[hbm4b:s7+s2] =	stream.linear.scatter [tilespmem:s2], [sflag:$0x1], $0x1000, $0x38;
	[tilespmem:$0x1000] =	vst v63  }
0x34: {  	_ =	swait.ge [sflag:s3], $0x1000  }
0x35: {  	[sflag:s3] =	ssyncset.done $0x0  }
0x36: {  	[sflag:s3] =	ssyncadd.s32 $0xFFFFF000  }
0x37: {  	[tilespmem:s2], [sflag:$0x1] =	stream.linear.gather [hbm4b:s8+s2], $0x1000, $0x38;
	[tilespmem:$0x1000] =	vst v63  }
0x38: {  	_ =	swait.ge [sflag:s3], $0x1000  }
0x39: {  	[sflag:s3] =	ssyncset.done $0x0  }
0x3a: {  	[sflag:s3] =	ssyncadd.s32 $0xFFFFF000  }
0x3b: {  	[hbm4b:s9+s2] =	stream.linear.scatter [tilespmem:s2], [sflag:$0x1], $0x1000, $0x38;
	[tilespmem:$0x1000] =	vst v63  }
0x3c: {  	_ =	swait.ge [sflag:s3], $0x1000  }
0x3d: {  	[sflag:s3] =	ssyncset.done $0x0  }
0x3e: {  	[sflag:s3] =	ssyncadd.s32 $0xFFFFF000  }
0x3f: {  	[tilespmem:s2], [sflag:$0x1] =	stream.linear.gather [hbm4b:s10+s2], $0x1000, $0x38;
	[tilespmem:$0x1000] =	vst v63  }
0x40: {  	_ =	swait.ge [sflag:s3], $0x1000  }
.Ltmp1:
0x41: {  	[sflag:s3] =	ssyncset.done $0x0;
	(pc) =	sbr.rel @p0 .LBB2_1-.Ltmp1, $4  }
0x42: {  	[sflag:s3] =	ssyncadd.s32 $0xFFFFF000  }
0x43: {  	[hbm4b:s11+s2] =	stream.linear.scatter [tilespmem:s2], [sflag:$0x1], $0x1000, $0x38;
	[tilespmem:$0x1000] =	vst v63  }
0x44: {  	_ =	swait.ge [sflag:s3], $0x1000  }
0x45: {  	[sflag:s3] =	ssyncset.done $0x0  }
.LBB2_2:
0x46: {  	[sflag:s3] =	ssyncadd.s32 $0xFFFFF000  }
0x47: {  	_ =	sfence.sel $0x180000  }
0x48: {  	[bflag:$0x0] =	sbarrier.arrive $0xFFFF  }
0x49: {  	p0 =	sne.s32 s1, $0x0;
	_ =	strace $0x90000047  }
0x4a: {  	s0 =	sadd.s32 @!p0 $0x100000, s0;
	[bflag:$0x2] =	sbarrier.arrive $0xFFFF  }
0x4b: {  	[sflag:s0] =	ssyncadd.tile.s32 @!p0 $0x1;
	_ =	shalt  }
.Lfunc_end2:
_tile_overlayer_lowered:
.L_overlay_start_2:
0x4c: {  	(tag) =	ssettag $0x2  }
0x4d: {  	s0 =	rddreg [dreg:$0x0];
	s2 =	stileid.u32  }
0x4e: {  	s1 =	rddreg [dreg:$0x1];
	p0 =	sne.s32 s2, $0x0  }
0x4f: {  	s3 =	rddreg [dreg:$0x2];
	[bflag:$0x3] =	sbarrier.arrive $0xFFFF;
	s2 =	simm.s32 @!p0 $0x1C01  }
0x50: {  	[timem:s3], [sflag:s2] =	dma.local @!p0 [hbm:s0], s1  }
0x51: {  	s0 =	simm.s32 @!p0 $0x1  }
0x52: {  	_ =	swait.ge @!p0 [sflag:s0], s1  }
0x53: {  	s1 =	ssub.s32 @!p0 $0x0, s1;
	[sflag:s0] =	ssyncset.done @!p0 $0x0  }
0x54: {  	[sflag:s0] =	ssyncadd.s32 @!p0 s1  }
0x55: {  	[bflag:$0x3] =	sbarrier.arrive $0xFFFF  }
0x56: {  	_ =	shalt  }

</sc_bundles>
